<compile_context>
chip_gen: v7x
topology: tpu7x:2x2x1
jax: 0.10.2.dev20260603
libtpu: 0.0.44.dev20260713+nightly
codegen_flags: <defaults>
</compile_context>

<pallas_src>
import dataclasses
import functools

import numpy as np
import jax
import jax.numpy as jnp
from jax import lax
from jax.experimental import pallas as pl
from jax.experimental.pallas import tpu as pltpu
from jax.experimental.pallas import tpu_sc as plsc

_NUM_FIELDS = 26
_EMBED_DIM = 16
_EMBED_OUT = _NUM_FIELDS * _EMBED_DIM
_B = 16384
_VOCAB = 100000 * _NUM_FIELDS
_N_E = _EMBED_OUT * _B
_N_L = _NUM_FIELDS * _B
_OFFS = np.arange(_NUM_FIELDS, dtype=np.int32) * 100000

_NC = 2
_NS = 16
_NW = _NC * _NS
_EPW = _N_E // _NW
_LPW = _N_L // _NW
_CHUNK = 4096
_NFLIGHT = 2
_LCHUNK = 3328

_S_MAT = np.tile(np.eye(_EMBED_DIM, dtype=np.float32), (_NUM_FIELDS, 1))
_PERM = np.array([16 * (jp % _NUM_FIELDS) + jp // _NUM_FIELDS
                  for jp in range(_EMBED_OUT)], dtype=np.int32)
_S_MAT_P = _S_MAT[_PERM]
_HALF = _EMBED_OUT // 2
_N_EH = _N_E // 2
_EPWH = _N_EH // _NW


def _sc_compiler_params():
    cp = pltpu.CompilerParams(use_tc_tiling_on_sc=False)
    if "needs_layout_passes" in pltpu.CompilerParams.__dataclass_fields__:
        cp = dataclasses.replace(cp, needs_layout_passes=False)
    return cp


@functools.lru_cache(maxsize=2)
def _build_sc_gather_e(n_out):
    per_w = n_out // _NW

    @functools.partial(
        pl.kernel,
        out_type=jax.ShapeDtypeStruct((n_out,), jnp.float32),
        mesh=plsc.VectorSubcoreMesh(core_axis_name="c", subcore_axis_name="s"),
        scratch_types=(
            [pltpu.VMEM((_CHUNK,), jnp.int32) for _ in range(_NFLIGHT)]
            + [pltpu.VMEM((_CHUNK,), jnp.float32) for _ in range(_NFLIGHT)]
            + [pltpu.SemaphoreType.DMA for _ in range(_NFLIGHT)]
        ),
        compiler_params=_sc_compiler_params(),
    )
    def _sc_gather_e(eidx_hbm, et_flat, gt_out, *scratch):
        idx_v = scratch[:_NFLIGHT]
        val_v = scratch[_NFLIGHT:2 * _NFLIGHT]
        sems = scratch[2 * _NFLIGHT:]
        wid = lax.axis_index("s") * _NC + lax.axis_index("c")
        ebase = wid * per_w

        @pl.loop(0, per_w, step=_NFLIGHT * _CHUNK)
        def _(off):
            cps = []
            for n in range(_NFLIGHT):
                s = ebase + off + n * _CHUNK
                pltpu.sync_copy(eidx_hbm.at[pl.ds(s, _CHUNK)], idx_v[n])
                cps.append(pltpu.async_copy(et_flat.at[idx_v[n]], val_v[n], sems[n]))
            for n in range(_NFLIGHT):
                cps[n].wait()
                pltpu.sync_copy(val_v[n], gt_out.at[pl.ds(ebase + off + n * _CHUNK, _CHUNK)])

    return _sc_gather_e


@functools.lru_cache(maxsize=1)
def _build_sc_gather_l():
    @functools.partial(
        pl.kernel,
        out_type=jax.ShapeDtypeStruct((_N_L,), jnp.float32),
        mesh=plsc.VectorSubcoreMesh(core_axis_name="c", subcore_axis_name="s"),
        scratch_types=[
            pltpu.VMEM((_LCHUNK,), jnp.int32),
            pltpu.VMEM((_LCHUNK,), jnp.float32),
            pltpu.SemaphoreType.DMA,
        ],
        compiler_params=_sc_compiler_params(),
    )
    def _sc_gather_l(lidx_hbm, l_flat, lval_out, lidx_v, lval_v, sem):
        wid = lax.axis_index("s") * _NC + lax.axis_index("c")
        lbase = wid * _LPW

        @pl.loop(0, _LPW, step=_LCHUNK)
        def _(off):
            start = lbase + off
            pltpu.sync_copy(lidx_hbm.at[pl.ds(start, _LCHUNK)], lidx_v)
            pltpu.async_copy(l_flat.at[lidx_v], lval_v, sem).wait()
            pltpu.sync_copy(lval_v, lval_out.at[pl.ds(start, _LCHUNK)])

    return _sc_gather_l


_VMAIN = _VOCAB - 64
_TBASE = _EMBED_DIM * _VMAIN


_CBLK = 262144
_CGRID = 10
_CLAST = _VMAIN - (_CGRID - 1) * _CBLK


_HTBASE = 8 * _VMAIN


def _compact_half_lo(ET, LT, tail_lo, tail_l):
    def body(et_ref, lt_ref, tail_ref, tail_l_ref, out_ref, lout_ref, sem):
        i = pl.program_id(0)

        def emit(size):
            copies = [
                pltpu.make_async_copy(
                    et_ref.at[d, pl.ds(0, size)],
                    out_ref.at[pl.ds(d * _VMAIN + i * _CBLK, size)],
                    sem,
                )
                for d in range(8)
            ]
            copies.append(
                pltpu.make_async_copy(
                    lt_ref.at[0, pl.ds(0, size)],
                    lout_ref.at[pl.ds(i * _CBLK, size)],
                    sem,
                )
            )
            for c in copies:
                c.start()
            for c in copies:
                c.wait()

        @pl.when(i < _CGRID - 1)
        def _():
            emit(_CBLK)

        @pl.when(i == _CGRID - 1)
        def _():
            emit(_CLAST)

        @pl.when(i == 0)
        def _():
            c1 = pltpu.make_async_copy(tail_ref, out_ref.at[pl.ds(_HTBASE, 512)], sem)
            c2 = pltpu.make_async_copy(tail_l_ref, lout_ref.at[pl.ds(_VMAIN, 128)], sem)
            c1.start()
            c2.start()
            c1.wait()
            c2.wait()

    return pl.pallas_call(
        body,
        grid=(_CGRID,),
        in_specs=[pl.BlockSpec((8, _CBLK), lambda i: (0, i)),
                  pl.BlockSpec((1, _CBLK), lambda i: (0, i)),
                  pl.BlockSpec(memory_space=pl.ANY),
                  pl.BlockSpec(memory_space=pl.ANY)],
        out_specs=[pl.BlockSpec(memory_space=pl.ANY),
                   pl.BlockSpec(memory_space=pl.ANY)],
        out_shape=[jax.ShapeDtypeStruct((_HTBASE + 512,), jnp.float32),
                   jax.ShapeDtypeStruct((_VMAIN + 128,), jnp.float32)],
        scratch_shapes=[pltpu.SemaphoreType.DMA],
    )(ET, LT, tail_lo, tail_l)


def _compact_half_hi(ET, tail_hi):
    def body(et_ref, tail_ref, out_ref, sem):
        i = pl.program_id(0)

        def emit(size):
            copies = [
                pltpu.make_async_copy(
                    et_ref.at[d, pl.ds(0, size)],
                    out_ref.at[pl.ds(d * _VMAIN + i * _CBLK, size)],
                    sem,
                )
                for d in range(8)
            ]
            for c in copies:
                c.start()
            for c in copies:
                c.wait()

        @pl.when(i < _CGRID - 1)
        def _():
            emit(_CBLK)

        @pl.when(i == _CGRID - 1)
        def _():
            emit(_CLAST)

        @pl.when(i == 0)
        def _():
            c1 = pltpu.make_async_copy(tail_ref, out_ref.at[pl.ds(_HTBASE, 512)], sem)
            c1.start()
            c1.wait()

    return pl.pallas_call(
        body,
        grid=(_CGRID,),
        in_specs=[pl.BlockSpec((8, _CBLK), lambda i: (1, i)),
                  pl.BlockSpec(memory_space=pl.ANY)],
        out_specs=pl.BlockSpec(memory_space=pl.ANY),
        out_shape=jax.ShapeDtypeStruct((_HTBASE + 512,), jnp.float32),
        scratch_shapes=[pltpu.SemaphoreType.DMA],
    )(ET, tail_hi)


_BLK = 2048
_NB = _B // _BLK
_CONTRACT0 = (((0,), (0,)), ((), ()))


def _tc_body(gt_lo_ref, gt_hi_ref, lval_ref, W1_ref, b1_ref, g1_ref, be1_ref,
             W2_ref, b2_ref, g2_ref, be2_ref, W3_ref, sc_ref, S_ref,
             out_ref, h1_s, base_s):
    i = pl.program_id(0)
    Ml = gt_lo_ref[...].reshape(_HALF, _BLK)
    Mh = gt_hi_ref[...].reshape(_HALF, _BLK)
    h1 = (lax.dot_general(Ml, W1_ref[0:_HALF, :], _CONTRACT0,
                          preferred_element_type=jnp.float32)
          + lax.dot_general(Mh, W1_ref[_HALF:, :], _CONTRACT0,
                            preferred_element_type=jnp.float32)
          + b1_ref[...])
    h1_s[pl.ds(i * _BLK, _BLK), :] = h1

    s = (lax.dot_general(Ml, S_ref[0:_HALF, :], _CONTRACT0,
                         preferred_element_type=jnp.float32)
         + lax.dot_general(Mh, S_ref[_HALF:, :], _CONTRACT0,
                           preferred_element_type=jnp.float32))
    fm = 0.5 * (jnp.sum(s * s, axis=1)
                - jnp.sum(Ml * Ml, axis=0) - jnp.sum(Mh * Mh, axis=0))
    lin = jnp.sum(lval_ref[...], axis=0)
    base_s[pl.ds(i * _BLK, _BLK)] = lin + fm + sc_ref[0]

    @pl.when(i == _NB - 1)
    def _():
        H1 = h1_s[...]
        mu1 = jnp.mean(H1, axis=0, keepdims=True)
        d1 = H1 - mu1
        var1 = jnp.mean(d1 * d1, axis=0, keepdims=True)
        a1 = g1_ref[...] * lax.rsqrt(var1 + 1e-5)
        N1 = jnp.maximum(d1 * a1 + be1_ref[...], 0.0)
        H2 = jnp.dot(N1, W2_ref[...], preferred_element_type=jnp.float32) + b2_ref[...]
        mu2 = jnp.mean(H2, axis=0, keepdims=True)
        d2 = H2 - mu2
        var2 = jnp.mean(d2 * d2, axis=0, keepdims=True)
        a2 = g2_ref[...] * lax.rsqrt(var2 + 1e-5)
        N2 = jnp.maximum(d2 * a2 + be2_ref[...], 0.0)
        mlp = jnp.dot(N2, W3_ref[...], preferred_element_type=jnp.float32)[:, 0]
        z = base_s[...] + mlp
        e = jnp.exp(-jnp.abs(z))
        out_ref[...] = jnp.where(z >= 0, 1.0 / (1.0 + e), e / (1.0 + e))


def _tc_mlp(GTlo, GThi, lvalT, W1, b1, g1, be1, W2, b2, g2, be2, W3, sc):
    full = lambda shape: pl.BlockSpec(shape, lambda i: tuple(0 for _ in shape))
    return pl.pallas_call(
        _tc_body,
        grid=(_NB,),
        in_specs=[
            pl.BlockSpec((_HALF, _BLK // 128, 128), lambda i: (0, i, 0)),
            pl.BlockSpec((_HALF, _BLK // 128, 128), lambda i: (0, i, 0)),
            pl.BlockSpec((_NUM_FIELDS, _BLK), lambda i: (0, i)),
            full((_EMBED_OUT, 128)),
            full((1, 128)),
            full((1, 128)),
            full((1, 128)),
            full((128, 128)),
            full((1, 128)),
            full((1, 128)),
            full((1, 128)),
            full((128, 1)),
            pl.BlockSpec(memory_space=pltpu.SMEM),
            full((_EMBED_OUT, _EMBED_DIM)),
        ],
        out_specs=pl.BlockSpec((_B,), lambda i: (0,)),
        out_shape=jax.ShapeDtypeStruct((_B,), jnp.float32),
        scratch_shapes=[
            pltpu.VMEM((_B, 128), jnp.float32),
            pltpu.VMEM((_B,), jnp.float32),
        ],
    )(GTlo, GThi, lvalT, W1, b1.reshape(1, 128), g1.reshape(1, 128), be1.reshape(1, 128),
      W2, b2.reshape(1, 128), g2.reshape(1, 128), be2.reshape(1, 128),
      W3, sc, jnp.asarray(_S_MAT_P))


def kernel(x, E, L, bias, W1, b1, g1, be1, W2, b2, g2, be2, W3, b3):
    idxT = x.T.astype(jnp.int32) + jnp.asarray(_OFFS)[:, None]
    d_off = jnp.arange(8, dtype=jnp.int32)[:, None, None]
    v = idxT[None, :, :]
    eidx_h = jnp.where(v < _VMAIN,
                       d_off * _VMAIN + v,
                       _HTBASE + d_off * 64 + (v - _VMAIN))
    eidx_h = eidx_h.reshape(_N_EH)
    lidx = idxT.reshape(_N_L)
    tail_lo = lax.slice(E, (_VMAIN, 0), (_VOCAB, 8)).T.reshape(512)
    tail_hi = lax.slice(E, (_VMAIN, 8), (_VOCAB, _EMBED_DIM)).T.reshape(512)
    tail_l = jnp.concatenate(
        [lax.slice(L, (_VMAIN, 0), (_VOCAB, 1))[:, 0],
         jnp.zeros((64,), jnp.float32)])
    et_lo, l_flat = _compact_half_lo(E.T, L.T, tail_lo, tail_l)
    gt_lo = _build_sc_gather_e(_N_EH)(eidx_h, et_lo)
    et_hi = _compact_half_hi(E.T, tail_hi)
    gt_hi = _build_sc_gather_e(_N_EH)(eidx_h, et_hi)
    lval_flat = _build_sc_gather_l()(lidx, l_flat)
    GTlo = gt_lo.reshape(_HALF, _B // 128, 128)
    GThi = gt_hi.reshape(_HALF, _B // 128, 128)
    lvalT = lval_flat.reshape(_NUM_FIELDS, _B)
    sc = (bias + b3).reshape(1)
    W1p = jnp.take(W1, jnp.asarray(_PERM), axis=0)
    return _tc_mlp(GTlo, GThi, lvalT, W1p, b1, g1, be1, W2, b2, g2, be2, W3, sc)

# --- scband reference (transcript-rebuilt; emitter-appended) ---
"""Pipeline reference for scband-deep-factorization-machine-model-33182917329428 (READ-ONLY COPY).

The authoritative reference and input builder live on the scoring server;
editing this copy changes nothing except your own understanding.
"""

import jax, jax.numpy as jnp
import numpy as np

FIELD_DIMS = [100000] * 26
EMBED_DIM = 16
MLP_DIMS = [128, 128]
NUM_FIELDS = len(FIELD_DIMS)
TOTAL_VOCAB = sum(FIELD_DIMS)
EMBED_OUT = NUM_FIELDS * EMBED_DIM
OFFSETS = jnp.asarray(np.array((0, *np.cumsum(FIELD_DIMS)[:-1]), dtype=np.int64))


def setup_inputs(seed: int = 0) -> dict:
    key = jax.random.key(seed)
    ks = jax.random.split(key, 16)
    x = jax.random.randint(ks[0], (16384, NUM_FIELDS), 0, 100000, dtype=jnp.int64)
    # embedding table (xavier-uniform-like)
    bound_E = float(np.sqrt(6.0 / (TOTAL_VOCAB + EMBED_DIM)))
    E = jax.random.uniform(ks[1], (TOTAL_VOCAB, EMBED_DIM), dtype=jnp.float32, minval=-bound_E, maxval=bound_E)
    # linear table (torch Embedding default N(0,1) -> scale down for stability)
    L = jax.random.normal(ks[2], (TOTAL_VOCAB, 1), dtype=jnp.float32) * 0.01
    bias = jnp.zeros((1,), dtype=jnp.float32)
    # MLP params
    def lin_init(k, fan_in, fan_out):
        b = float(np.sqrt(1.0 / fan_in))
        kw, kb = jax.random.split(k)
        W = jax.random.uniform(kw, (fan_in, fan_out), dtype=jnp.float32, minval=-b, maxval=b)
        bb = jax.random.uniform(kb, (fan_out,), dtype=jnp.float32, minval=-b, maxval=b)
        return W, bb
    W1, b1 = lin_init(ks[3], EMBED_OUT, MLP_DIMS[0])
    g1 = jnp.ones((MLP_DIMS[0],), dtype=jnp.float32)
    be1 = jnp.zeros((MLP_DIMS[0],), dtype=jnp.float32)
    W2, b2 = lin_init(ks[4], MLP_DIMS[0], MLP_DIMS[1])
    g2 = jnp.ones((MLP_DIMS[1],), dtype=jnp.float32)
    be2 = jnp.zeros((MLP_DIMS[1],), dtype=jnp.float32)
    W3, b3 = lin_init(ks[5], MLP_DIMS[1], 1)
    return {"x": x, "E": E, "L": L, "bias": bias,
            "W1": W1, "b1": b1, "g1": g1, "be1": be1,
            "W2": W2, "b2": b2, "g2": g2, "be2": be2,
            "W3": W3, "b3": b3}


def _batchnorm(h, gamma, beta, eps=1e-5):
    mu = jnp.mean(h, axis=0, keepdims=True)
    var = jnp.mean((h - mu) ** 2, axis=0, keepdims=True)
    return gamma * (h - mu) / jnp.sqrt(var + eps) + beta


def reference(x, E, L, bias, W1, b1, g1, be1, W2, b2, g2, be2, W3, b3):
    idx = x + OFFSETS[None, :]
    embed_x = jnp.take(E, idx, axis=0)  # (B, F, D)
    # linear part
    linear = jnp.sum(jnp.take(L, idx, axis=0), axis=1) + bias  # (B, 1)
    # FM part
    square_of_sum = jnp.sum(embed_x, axis=1) ** 2
    sum_of_square = jnp.sum(embed_x ** 2, axis=1)
    fm = 0.5 * jnp.sum(square_of_sum - sum_of_square, axis=1, keepdims=True)  # (B, 1)
    # MLP part
    h = embed_x.reshape(-1, EMBED_OUT)
    h = h @ W1 + b1
    h = jax.nn.relu(_batchnorm(h, g1, be1))
    h = h @ W2 + b2
    h = jax.nn.relu(_batchnorm(h, g2, be2))
    mlp = h @ W3 + b3  # (B, 1)
    out = linear + fm + mlp
    return jax.nn.sigmoid(jnp.squeeze(out, axis=1))

if __name__ == "__main__":
    import jax
    _d = setup_inputs()
    print(jax.jit(kernel)(*tuple(_d.values())))

</pallas_src>

<mosaic_0001>
#map = affine_map<(d0, d1) -> (0)>
module attributes {stable_mosaic.version = 14 : i64} {
  func.func @_sc_gather_e(%arg0: i32, %arg1: i32, %arg2: memref<3407872xi32, #tpu.memory_space<hbm>>, %arg3: memref<20800000xf32, #tpu.memory_space<hbm>>, %arg4: memref<3407872xf32, #tpu.memory_space<hbm>>, %arg5: memref<4096xi32, #tpu.memory_space<vmem>>, %arg6: memref<4096xi32, #tpu.memory_space<vmem>>, %arg7: memref<4096xf32, #tpu.memory_space<vmem>>, %arg8: memref<4096xf32, #tpu.memory_space<vmem>>, %arg9: memref<!tpu.dma_semaphore, #tpu.memory_space<semaphore_mem>>, %arg10: memref<!tpu.dma_semaphore, #tpu.memory_space<semaphore_mem>>) attributes {dimension_semantics = [#tpu.dimension_semantics<core_parallel>, #tpu.dimension_semantics<subcore_parallel>], iteration_bounds = array<i64: 2, 16>, scalar_prefetch = 0 : i64, scratch_operands = 6 : i64, tpu.core_type = #tpu.core_type<sc_vector_subcore>, window_params = [{transform_indices = #map}, {transform_indices = #map}, {transform_indices = #map}]} {
    %mul3A = arith.constant 2 : i32
    %mul3A_0 = arith.muli %arg1, %mul3A : i32
    %add3A = arith.addi %mul3A_0, %arg0 : i32
    %mul3A_1 = arith.constant 106496 : i32
    %mul3A_2 = arith.muli %add3A, %mul3A_1 : i32
    %scan3A = arith.constant 0 : i32
    %scan3A_3 = arith.constant 13 : i32
    %scan3A_4 = arith.addi %scan3A, %scan3A_3 : i32
    %scan3A_5 = arith.constant 1 : i32
    scf.for %scan3A_7 = %scan3A to %scan3A_4 step %scan3A_5  : i32 {
      %mul3A_8 = arith.constant 8192 : i32
      %mul3A_9 = arith.muli %scan3A_7, %mul3A_8 : i32
      %add3A_10 = arith.constant 0 : i32
      %add3A_11 = arith.addi %add3A_10, %mul3A_9 : i32
      %add3A_12 = arith.addi %mul3A_2, %add3A_11 : i32
      %add3A_13 = arith.constant 0 : i32
      %add3A_14 = arith.addi %add3A_12, %add3A_13 : i32
      "tpu.region"() ({
        %run_scoped3A = tpu.sem_alloc : memref<!tpu.dma_semaphore, #tpu.memory_space<semaphore_mem>>
        %dma_start3A_30 = tpu.memref_slice %arg2[%add3A_14] : memref<3407872xi32, #tpu.memory_space<hbm>> -> memref<4096xi32, #tpu.memory_space<hbm>>
        %dma_start3A_31 = tpu.memref_slice %arg2[%add3A_14] : memref<3407872xi32, #tpu.memory_space<hbm>> -> memref<4096xi32, #tpu.memory_space<hbm>>
        tpu.enqueue_dma source(%dma_start3A_31 : memref<4096xi32, #tpu.memory_space<hbm>>) target(%arg5 : memref<4096xi32, #tpu.memory_space<vmem>>) target_semaphore(%run_scoped3A : memref<!tpu.dma_semaphore, #tpu.memory_space<semaphore_mem>>)
        %dma_wait3A_32 = tpu.memref_slice %arg2[%add3A_14] : memref<3407872xi32, #tpu.memory_space<hbm>> -> memref<4096xi32, #tpu.memory_space<hbm>>
        %dma_wait3A_33 = tpu.memref_slice %arg2[%add3A_14] : memref<3407872xi32, #tpu.memory_space<hbm>> -> memref<4096xi32, #tpu.memory_space<hbm>>
        tpu.wait_dma2 semaphore(%run_scoped3A : memref<!tpu.dma_semaphore, #tpu.memory_space<semaphore_mem>>) src(%dma_wait3A_33 : memref<4096xi32, #tpu.memory_space<hbm>>) dst(%arg5 : memref<4096xi32, #tpu.memory_space<vmem>>)
        tpu.yield
      }) : () -> ()
      %dma_start3A = arith.constant 0 : i32
      %dma_start3A_15 = tpu.memref_slice %arg3[%dma_start3A] : memref<20800000xf32, #tpu.memory_space<hbm>> -> memref<20800000xf32, #tpu.memory_space<hbm>>
      tpu.enqueue_indirect_dma source(%dma_start3A_15 : memref<20800000xf32, #tpu.memory_space<hbm>>) target(%arg7 : memref<4096xf32, #tpu.memory_space<vmem>>) offsets(%arg5 : memref<4096xi32, #tpu.memory_space<vmem>>) semaphore(%arg9 : memref<!tpu.dma_semaphore, #tpu.memory_space<semaphore_mem>>)
      %add3A_16 = arith.addi %mul3A_2, %add3A_11 : i32
      %add3A_17 = arith.constant 4096 : i32
      %add3A_18 = arith.addi %add3A_16, %add3A_17 : i32
      "tpu.region"() ({
        %run_scoped3A = tpu.sem_alloc : memref<!tpu.dma_semaphore, #tpu.memory_space<semaphore_mem>>
        %dma_start3A_30 = tpu.memref_slice %arg2[%add3A_18] : memref<3407872xi32, #tpu.memory_space<hbm>> -> memref<4096xi32, #tpu.memory_space<hbm>>
        %dma_start3A_31 = tpu.memref_slice %arg2[%add3A_18] : memref<3407872xi32, #tpu.memory_space<hbm>> -> memref<4096xi32, #tpu.memory_space<hbm>>
        tpu.enqueue_dma source(%dma_start3A_31 : memref<4096xi32, #tpu.memory_space<hbm>>) target(%arg6 : memref<4096xi32, #tpu.memory_space<vmem>>) target_semaphore(%run_scoped3A : memref<!tpu.dma_semaphore, #tpu.memory_space<semaphore_mem>>)
        %dma_wait3A_32 = tpu.memref_slice %arg2[%add3A_18] : memref<3407872xi32, #tpu.memory_space<hbm>> -> memref<4096xi32, #tpu.memory_space<hbm>>
        %dma_wait3A_33 = tpu.memref_slice %arg2[%add3A_18] : memref<3407872xi32, #tpu.memory_space<hbm>> -> memref<4096xi32, #tpu.memory_space<hbm>>
        tpu.wait_dma2 semaphore(%run_scoped3A : memref<!tpu.dma_semaphore, #tpu.memory_space<semaphore_mem>>) src(%dma_wait3A_33 : memref<4096xi32, #tpu.memory_space<hbm>>) dst(%arg6 : memref<4096xi32, #tpu.memory_space<vmem>>)
        tpu.yield
      }) : () -> ()
      %dma_start3A_19 = arith.constant 0 : i32
      %dma_start3A_20 = tpu.memref_slice %arg3[%dma_start3A_19] : memref<20800000xf32, #tpu.memory_space<hbm>> -> memref<20800000xf32, #tpu.memory_space<hbm>>
      tpu.enqueue_indirect_dma source(%dma_start3A_20 : memref<20800000xf32, #tpu.memory_space<hbm>>) target(%arg8 : memref<4096xf32, #tpu.memory_space<vmem>>) offsets(%arg6 : memref<4096xi32, #tpu.memory_space<vmem>>) semaphore(%arg10 : memref<!tpu.dma_semaphore, #tpu.memory_space<semaphore_mem>>)
      %dma_wait3A = arith.constant 0 : i32
      %dma_wait3A_21 = tpu.memref_slice %arg3[%dma_wait3A] : memref<20800000xf32, #tpu.memory_space<hbm>> -> memref<20800000xf32, #tpu.memory_space<hbm>>
      tpu.wait_indirect_dma semaphore(%arg9 : memref<!tpu.dma_semaphore, #tpu.memory_space<semaphore_mem>>) src(%dma_wait3A_21 : memref<20800000xf32, #tpu.memory_space<hbm>>) dst(%arg7 : memref<4096xf32, #tpu.memory_space<vmem>>)
      %add3A_22 = arith.addi %mul3A_2, %add3A_11 : i32
      %add3A_23 = arith.constant 0 : i32
      %add3A_24 = arith.addi %add3A_22, %add3A_23 : i32
      "tpu.region"() ({
        %run_scoped3A = tpu.sem_alloc : memref<!tpu.dma_semaphore, #tpu.memory_space<semaphore_mem>>
        %dma_start3A_30 = tpu.memref_slice %arg4[%add3A_24] : memref<3407872xf32, #tpu.memory_space<hbm>> -> memref<4096xf32, #tpu.memory_space<hbm>>
        %dma_start3A_31 = tpu.memref_slice %arg4[%add3A_24] : memref<3407872xf32, #tpu.memory_space<hbm>> -> memref<4096xf32, #tpu.memory_space<hbm>>
        tpu.enqueue_dma source(%arg7 : memref<4096xf32, #tpu.memory_space<vmem>>) target(%dma_start3A_31 : memref<4096xf32, #tpu.memory_space<hbm>>) target_semaphore(%run_scoped3A : memref<!tpu.dma_semaphore, #tpu.memory_space<semaphore_mem>>)
        %dma_wait3A_32 = tpu.memref_slice %arg4[%add3A_24] : memref<3407872xf32, #tpu.memory_space<hbm>> -> memref<4096xf32, #tpu.memory_space<hbm>>
        %dma_wait3A_33 = tpu.memref_slice %arg4[%add3A_24] : memref<3407872xf32, #tpu.memory_space<hbm>> -> memref<4096xf32, #tpu.memory_space<hbm>>
        tpu.wait_dma2 semaphore(%run_scoped3A : memref<!tpu.dma_semaphore, #tpu.memory_space<semaphore_mem>>) src(%arg7 : memref<4096xf32, #tpu.memory_space<vmem>>) dst(%dma_wait3A_33 : memref<4096xf32, #tpu.memory_space<hbm>>)
        tpu.yield
      }) : () -> ()
      %dma_wait3A_25 = arith.constant 0 : i32
      %dma_wait3A_26 = tpu.memref_slice %arg3[%dma_wait3A_25] : memref<20800000xf32, #tpu.memory_space<hbm>> -> memref<20800000xf32, #tpu.memory_space<hbm>>
      tpu.wait_indirect_dma semaphore(%arg10 : memref<!tpu.dma_semaphore, #tpu.memory_space<semaphore_mem>>) src(%dma_wait3A_26 : memref<20800000xf32, #tpu.memory_space<hbm>>) dst(%arg8 : memref<4096xf32, #tpu.memory_space<vmem>>)
      %add3A_27 = arith.addi %mul3A_2, %add3A_11 : i32
      %add3A_28 = arith.constant 4096 : i32
      %add3A_29 = arith.addi %add3A_27, %add3A_28 : i32
      "tpu.region"() ({
        %run_scoped3A = tpu.sem_alloc : memref<!tpu.dma_semaphore, #tpu.memory_space<semaphore_mem>>
        %dma_start3A_30 = tpu.memref_slice %arg4[%add3A_29] : memref<3407872xf32, #tpu.memory_space<hbm>> -> memref<4096xf32, #tpu.memory_space<hbm>>
        %dma_start3A_31 = tpu.memref_slice %arg4[%add3A_29] : memref<3407872xf32, #tpu.memory_space<hbm>> -> memref<4096xf32, #tpu.memory_space<hbm>>
        tpu.enqueue_dma source(%arg8 : memref<4096xf32, #tpu.memory_space<vmem>>) target(%dma_start3A_31 : memref<4096xf32, #tpu.memory_space<hbm>>) target_semaphore(%run_scoped3A : memref<!tpu.dma_semaphore, #tpu.memory_space<semaphore_mem>>)
        %dma_wait3A_32 = tpu.memref_slice %arg4[%add3A_29] : memref<3407872xf32, #tpu.memory_space<hbm>> -> memref<4096xf32, #tpu.memory_space<hbm>>
        %dma_wait3A_33 = tpu.memref_slice %arg4[%add3A_29] : memref<3407872xf32, #tpu.memory_space<hbm>> -> memref<4096xf32, #tpu.memory_space<hbm>>
        tpu.wait_dma2 semaphore(%run_scoped3A : memref<!tpu.dma_semaphore, #tpu.memory_space<semaphore_mem>>) src(%arg8 : memref<4096xf32, #tpu.memory_space<vmem>>) dst(%dma_wait3A_33 : memref<4096xf32, #tpu.memory_space<hbm>>)
        tpu.yield
      }) : () -> ()
    }
    %scan3A_6 = arith.constant 13 : i32
    return
  }
}

#map = affine_map<(d0, d1) -> (0)>
module attributes {stable_mosaic.version = 14 : i64} {
  func.func @_sc_gather_e(%arg0: i32, %arg1: i32, %arg2: memref<3407872xi32, #tpu.memory_space<hbm>>, %arg3: memref<20800000xf32, #tpu.memory_space<hbm>>, %arg4: memref<3407872xf32, #tpu.memory_space<hbm>>, %arg5: memref<4096xi32, #tpu.memory_space<vmem>>, %arg6: memref<4096xi32, #tpu.memory_space<vmem>>, %arg7: memref<4096xf32, #tpu.memory_space<vmem>>, %arg8: memref<4096xf32, #tpu.memory_space<vmem>>, %arg9: memref<!tpu.dma_semaphore, #tpu.memory_space<semaphore_mem>>, %arg10: memref<!tpu.dma_semaphore, #tpu.memory_space<semaphore_mem>>) attributes {dimension_semantics = [#tpu.dimension_semantics<core_parallel>, #tpu.dimension_semantics<subcore_parallel>], iteration_bounds = array<i64: 2, 16>, scalar_prefetch = 0 : i64, scratch_operands = 6 : i64, tpu.core_type = #tpu.core_type<sc_vector_subcore>, window_params = [{transform_indices = #map}, {transform_indices = #map}, {transform_indices = #map}]} {
    %mul3A = arith.constant 2 : i32
    %mul3A_0 = arith.muli %arg1, %mul3A : i32
    %add3A = arith.addi %mul3A_0, %arg0 : i32
    %mul3A_1 = arith.constant 106496 : i32
    %mul3A_2 = arith.muli %add3A, %mul3A_1 : i32
    %scan3A = arith.constant 0 : i32
    %scan3A_3 = arith.constant 13 : i32
    %scan3A_4 = arith.addi %scan3A, %scan3A_3 : i32
    %scan3A_5 = arith.constant 1 : i32
    scf.for %scan3A_7 = %scan3A to %scan3A_4 step %scan3A_5  : i32 {
      %mul3A_8 = arith.constant 8192 : i32
      %mul3A_9 = arith.muli %scan3A_7, %mul3A_8 : i32
      %add3A_10 = arith.constant 0 : i32
      %add3A_11 = arith.addi %add3A_10, %mul3A_9 : i32
      %add3A_12 = arith.addi %mul3A_2, %add3A_11 : i32
      %add3A_13 = arith.constant 0 : i32
      %add3A_14 = arith.addi %add3A_12, %add3A_13 : i32
      "tpu.region"() ({
        %run_scoped3A = tpu.sem_alloc : memref<!tpu.dma_semaphore, #tpu.memory_space<semaphore_mem>>
        %dma_start3A_30 = tpu.memref_slice %arg2[%add3A_14] : memref<3407872xi32, #tpu.memory_space<hbm>> -> memref<4096xi32, #tpu.memory_space<hbm>>
        %dma_start3A_31 = tpu.memref_slice %arg2[%add3A_14] : memref<3407872xi32, #tpu.memory_space<hbm>> -> memref<4096xi32, #tpu.memory_space<hbm>>
        tpu.enqueue_dma source(%dma_start3A_31 : memref<4096xi32, #tpu.memory_space<hbm>>) target(%arg5 : memref<4096xi32, #tpu.memory_space<vmem>>) target_semaphore(%run_scoped3A : memref<!tpu.dma_semaphore, #tpu.memory_space<semaphore_mem>>)
        %dma_wait3A_32 = tpu.memref_slice %arg2[%add3A_14] : memref<3407872xi32, #tpu.memory_space<hbm>> -> memref<4096xi32, #tpu.memory_space<hbm>>
        %dma_wait3A_33 = tpu.memref_slice %arg2[%add3A_14] : memref<3407872xi32, #tpu.memory_space<hbm>> -> memref<4096xi32, #tpu.memory_space<hbm>>
        tpu.wait_dma2 semaphore(%run_scoped3A : memref<!tpu.dma_semaphore, #tpu.memory_space<semaphore_mem>>) src(%dma_wait3A_33 : memref<4096xi32, #tpu.memory_space<hbm>>) dst(%arg5 : memref<4096xi32, #tpu.memory_space<vmem>>)
        tpu.yield
      }) : () -> ()
      %dma_start3A = arith.constant 0 : i32
      %dma_start3A_15 = tpu.memref_slice %arg3[%dma_start3A] : memref<20800000xf32, #tpu.memory_space<hbm>> -> memref<20800000xf32, #tpu.memory_space<hbm>>
      tpu.enqueue_indirect_dma source(%dma_start3A_15 : memref<20800000xf32, #tpu.memory_space<hbm>>) target(%arg7 : memref<4096xf32, #tpu.memory_space<vmem>>) offsets(%arg5 : memref<4096xi32, #tpu.memory_space<vmem>>) semaphore(%arg9 : memref<!tpu.dma_semaphore, #tpu.memory_space<semaphore_mem>>)
      %add3A_16 = arith.addi %mul3A_2, %add3A_11 : i32
      %add3A_17 = arith.constant 4096 : i32
      %add3A_18 = arith.addi %add3A_16, %add3A_17 : i32
      "tpu.region"() ({
        %run_scoped3A = tpu.sem_alloc : memref<!tpu.dma_semaphore, #tpu.memory_space<semaphore_mem>>
        %dma_start3A_30 = tpu.memref_slice %arg2[%add3A_18] : memref<3407872xi32, #tpu.memory_space<hbm>> -> memref<4096xi32, #tpu.memory_space<hbm>>
        %dma_start3A_31 = tpu.memref_slice %arg2[%add3A_18] : memref<3407872xi32, #tpu.memory_space<hbm>> -> memref<4096xi32, #tpu.memory_space<hbm>>
        tpu.enqueue_dma source(%dma_start3A_31 : memref<4096xi32, #tpu.memory_space<hbm>>) target(%arg6 : memref<4096xi32, #tpu.memory_space<vmem>>) target_semaphore(%run_scoped3A : memref<!tpu.dma_semaphore, #tpu.memory_space<semaphore_mem>>)
        %dma_wait3A_32 = tpu.memref_slice %arg2[%add3A_18] : memref<3407872xi32, #tpu.memory_space<hbm>> -> memref<4096xi32, #tpu.memory_space<hbm>>
        %dma_wait3A_33 = tpu.memref_slice %arg2[%add3A_18] : memref<3407872xi32, #tpu.memory_space<hbm>> -> memref<4096xi32, #tpu.memory_space<hbm>>
        tpu.wait_dma2 semaphore(%run_scoped3A : memref<!tpu.dma_semaphore, #tpu.memory_space<semaphore_mem>>) src(%dma_wait3A_33 : memref<4096xi32, #tpu.memory_space<hbm>>) dst(%arg6 : memref<4096xi32, #tpu.memory_space<vmem>>)
        tpu.yield
      }) : () -> ()
      %dma_start3A_19 = arith.constant 0 : i32
      %dma_start3A_20 = tpu.memref_slice %arg3[%dma_start3A_19] : memref<20800000xf32, #tpu.memory_space<hbm>> -> memref<20800000xf32, #tpu.memory_space<hbm>>
      tpu.enqueue_indirect_dma source(%dma_start3A_20 : memref<20800000xf32, #tpu.memory_space<hbm>>) target(%arg8 : memref<4096xf32, #tpu.memory_space<vmem>>) offsets(%arg6 : memref<4096xi32, #tpu.memory_space<vmem>>) semaphore(%arg10 : memref<!tpu.dma_semaphore, #tpu.memory_space<semaphore_mem>>)
      %dma_wait3A = arith.constant 0 : i32
      %dma_wait3A_21 = tpu.memref_slice %arg3[%dma_wait3A] : memref<20800000xf32, #tpu.memory_space<hbm>> -> memref<20800000xf32, #tpu.memory_space<hbm>>
      tpu.wait_indirect_dma semaphore(%arg9 : memref<!tpu.dma_semaphore, #tpu.memory_space<semaphore_mem>>) src(%dma_wait3A_21 : memref<20800000xf32, #tpu.memory_space<hbm>>) dst(%arg7 : memref<4096xf32, #tpu.memory_space<vmem>>)
      %add3A_22 = arith.addi %mul3A_2, %add3A_11 : i32
      %add3A_23 = arith.constant 0 : i32
      %add3A_24 = arith.addi %add3A_22, %add3A_23 : i32
      "tpu.region"() ({
        %run_scoped3A = tpu.sem_alloc : memref<!tpu.dma_semaphore, #tpu.memory_space<semaphore_mem>>
        %dma_start3A_30 = tpu.memref_slice %arg4[%add3A_24] : memref<3407872xf32, #tpu.memory_space<hbm>> -> memref<4096xf32, #tpu.memory_space<hbm>>
        %dma_start3A_31 = tpu.memref_slice %arg4[%add3A_24] : memref<3407872xf32, #tpu.memory_space<hbm>> -> memref<4096xf32, #tpu.memory_space<hbm>>
        tpu.enqueue_dma source(%arg7 : memref<4096xf32, #tpu.memory_space<vmem>>) target(%dma_start3A_31 : memref<4096xf32, #tpu.memory_space<hbm>>) target_semaphore(%run_scoped3A : memref<!tpu.dma_semaphore, #tpu.memory_space<semaphore_mem>>)
        %dma_wait3A_32 = tpu.memref_slice %arg4[%add3A_24] : memref<3407872xf32, #tpu.memory_space<hbm>> -> memref<4096xf32, #tpu.memory_space<hbm>>
        %dma_wait3A_33 = tpu.memref_slice %arg4[%add3A_24] : memref<3407872xf32, #tpu.memory_space<hbm>> -> memref<4096xf32, #tpu.memory_space<hbm>>
        tpu.wait_dma2 semaphore(%run_scoped3A : memref<!tpu.dma_semaphore, #tpu.memory_space<semaphore_mem>>) src(%arg7 : memref<4096xf32, #tpu.memory_space<vmem>>) dst(%dma_wait3A_33 : memref<4096xf32, #tpu.memory_space<hbm>>)
        tpu.yield
      }) : () -> ()
      %dma_wait3A_25 = arith.constant 0 : i32
      %dma_wait3A_26 = tpu.memref_slice %arg3[%dma_wait3A_25] : memref<20800000xf32, #tpu.memory_space<hbm>> -> memref<20800000xf32, #tpu.memory_space<hbm>>
      tpu.wait_indirect_dma semaphore(%arg10 : memref<!tpu.dma_semaphore, #tpu.memory_space<semaphore_mem>>) src(%dma_wait3A_26 : memref<20800000xf32, #tpu.memory_space<hbm>>) dst(%arg8 : memref<4096xf32, #tpu.memory_space<vmem>>)
      %add3A_27 = arith.addi %mul3A_2, %add3A_11 : i32
      %add3A_28 = arith.constant 4096 : i32
      %add3A_29 = arith.addi %add3A_27, %add3A_28 : i32
      "tpu.region"() ({
        %run_scoped3A = tpu.sem_alloc : memref<!tpu.dma_semaphore, #tpu.memory_space<semaphore_mem>>
        %dma_start3A_30 = tpu.memref_slice %arg4[%add3A_29] : memref<3407872xf32, #tpu.memory_space<hbm>> -> memref<4096xf32, #tpu.memory_space<hbm>>
        %dma_start3A_31 = tpu.memref_slice %arg4[%add3A_29] : memref<3407872xf32, #tpu.memory_space<hbm>> -> memref<4096xf32, #tpu.memory_space<hbm>>
        tpu.enqueue_dma source(%arg8 : memref<4096xf32, #tpu.memory_space<vmem>>) target(%dma_start3A_31 : memref<4096xf32, #tpu.memory_space<hbm>>) target_semaphore(%run_scoped3A : memref<!tpu.dma_semaphore, #tpu.memory_space<semaphore_mem>>)
        %dma_wait3A_32 = tpu.memref_slice %arg4[%add3A_29] : memref<3407872xf32, #tpu.memory_space<hbm>> -> memref<4096xf32, #tpu.memory_space<hbm>>
        %dma_wait3A_33 = tpu.memref_slice %arg4[%add3A_29] : memref<3407872xf32, #tpu.memory_space<hbm>> -> memref<4096xf32, #tpu.memory_space<hbm>>
        tpu.wait_dma2 semaphore(%run_scoped3A : memref<!tpu.dma_semaphore, #tpu.memory_space<semaphore_mem>>) src(%arg8 : memref<4096xf32, #tpu.memory_space<vmem>>) dst(%dma_wait3A_33 : memref<4096xf32, #tpu.memory_space<hbm>>)
        tpu.yield
      }) : () -> ()
    }
    %scan3A_6 = arith.constant 13 : i32
    return
  }
}

#map = affine_map<(d0, d1) -> (0)>
module attributes {stable_mosaic.version = 14 : i64} {
  func.func @_sc_gather_l(%arg0: i32, %arg1: i32, %arg2: memref<425984xi32, #tpu.memory_space<hbm>>, %arg3: memref<2600064xf32, #tpu.memory_space<hbm>>, %arg4: memref<425984xf32, #tpu.memory_space<hbm>>, %arg5: memref<3328xi32, #tpu.memory_space<vmem>>, %arg6: memref<3328xf32, #tpu.memory_space<vmem>>, %arg7: memref<!tpu.dma_semaphore, #tpu.memory_space<semaphore_mem>>) attributes {dimension_semantics = [#tpu.dimension_semantics<core_parallel>, #tpu.dimension_semantics<subcore_parallel>], iteration_bounds = array<i64: 2, 16>, scalar_prefetch = 0 : i64, scratch_operands = 3 : i64, tpu.core_type = #tpu.core_type<sc_vector_subcore>, window_params = [{transform_indices = #map}, {transform_indices = #map}, {transform_indices = #map}]} {
    %mul3A = arith.constant 2 : i32
    %mul3A_0 = arith.muli %arg1, %mul3A : i32
    %add3A = arith.addi %mul3A_0, %arg0 : i32
    %mul3A_1 = arith.constant 13312 : i32
    %mul3A_2 = arith.muli %add3A, %mul3A_1 : i32
    %scan3A = arith.constant 0 : i32
    %scan3A_3 = arith.constant 4 : i32
    %scan3A_4 = arith.addi %scan3A, %scan3A_3 : i32
    %scan3A_5 = arith.constant 1 : i32
    scf.for %scan3A_7 = %scan3A to %scan3A_4 step %scan3A_5  : i32 {
      %mul3A_8 = arith.constant 3328 : i32
      %mul3A_9 = arith.muli %scan3A_7, %mul3A_8 : i32
      %add3A_10 = arith.constant 0 : i32
      %add3A_11 = arith.addi %add3A_10, %mul3A_9 : i32
      %add3A_12 = arith.addi %mul3A_2, %add3A_11 : i32
      "tpu.region"() ({
        %run_scoped3A = tpu.sem_alloc : memref<!tpu.dma_semaphore, #tpu.memory_space<semaphore_mem>>
        %dma_start3A_15 = tpu.memref_slice %arg2[%add3A_12] : memref<425984xi32, #tpu.memory_space<hbm>> -> memref<3328xi32, #tpu.memory_space<hbm>>
        %dma_start3A_16 = tpu.memref_slice %arg2[%add3A_12] : memref<425984xi32, #tpu.memory_space<hbm>> -> memref<3328xi32, #tpu.memory_space<hbm>>
        tpu.enqueue_dma source(%dma_start3A_16 : memref<3328xi32, #tpu.memory_space<hbm>>) target(%arg5 : memref<3328xi32, #tpu.memory_space<vmem>>) target_semaphore(%run_scoped3A : memref<!tpu.dma_semaphore, #tpu.memory_space<semaphore_mem>>)
        %dma_wait3A_17 = tpu.memref_slice %arg2[%add3A_12] : memref<425984xi32, #tpu.memory_space<hbm>> -> memref<3328xi32, #tpu.memory_space<hbm>>
        %dma_wait3A_18 = tpu.memref_slice %arg2[%add3A_12] : memref<425984xi32, #tpu.memory_space<hbm>> -> memref<3328xi32, #tpu.memory_space<hbm>>
        tpu.wait_dma2 semaphore(%run_scoped3A : memref<!tpu.dma_semaphore, #tpu.memory_space<semaphore_mem>>) src(%dma_wait3A_18 : memref<3328xi32, #tpu.memory_space<hbm>>) dst(%arg5 : memref<3328xi32, #tpu.memory_space<vmem>>)
        tpu.yield
      }) : () -> ()
      %dma_start3A = arith.constant 0 : i32
      %dma_start3A_13 = tpu.memref_slice %arg3[%dma_start3A] : memref<2600064xf32, #tpu.memory_space<hbm>> -> memref<2600064xf32, #tpu.memory_space<hbm>>
      tpu.enqueue_indirect_dma source(%dma_start3A_13 : memref<2600064xf32, #tpu.memory_space<hbm>>) target(%arg6 : memref<3328xf32, #tpu.memory_space<vmem>>) offsets(%arg5 : memref<3328xi32, #tpu.memory_space<vmem>>) semaphore(%arg7 : memref<!tpu.dma_semaphore, #tpu.memory_space<semaphore_mem>>)
      %dma_wait3A = arith.constant 0 : i32
      %dma_wait3A_14 = tpu.memref_slice %arg3[%dma_wait3A] : memref<2600064xf32, #tpu.memory_space<hbm>> -> memref<2600064xf32, #tpu.memory_space<hbm>>
      tpu.wait_indirect_dma semaphore(%arg7 : memref<!tpu.dma_semaphore, #tpu.memory_space<semaphore_mem>>) src(%dma_wait3A_14 : memref<2600064xf32, #tpu.memory_space<hbm>>) dst(%arg6 : memref<3328xf32, #tpu.memory_space<vmem>>)
      "tpu.region"() ({
        %run_scoped3A = tpu.sem_alloc : memref<!tpu.dma_semaphore, #tpu.memory_space<semaphore_mem>>
        %dma_start3A_15 = tpu.memref_slice %arg4[%add3A_12] : memref<425984xf32, #tpu.memory_space<hbm>> -> memref<3328xf32, #tpu.memory_space<hbm>>
        %dma_start3A_16 = tpu.memref_slice %arg4[%add3A_12] : memref<425984xf32, #tpu.memory_space<hbm>> -> memref<3328xf32, #tpu.memory_space<hbm>>
        tpu.enqueue_dma source(%arg6 : memref<3328xf32, #tpu.memory_space<vmem>>) target(%dma_start3A_16 : memref<3328xf32, #tpu.memory_space<hbm>>) target_semaphore(%run_scoped3A : memref<!tpu.dma_semaphore, #tpu.memory_space<semaphore_mem>>)
        %dma_wait3A_17 = tpu.memref_slice %arg4[%add3A_12] : memref<425984xf32, #tpu.memory_space<hbm>> -> memref<3328xf32, #tpu.memory_space<hbm>>
        %dma_wait3A_18 = tpu.memref_slice %arg4[%add3A_12] : memref<425984xf32, #tpu.memory_space<hbm>> -> memref<3328xf32, #tpu.memory_space<hbm>>
        tpu.wait_dma2 semaphore(%run_scoped3A : memref<!tpu.dma_semaphore, #tpu.memory_space<semaphore_mem>>) src(%arg6 : memref<3328xf32, #tpu.memory_space<vmem>>) dst(%dma_wait3A_18 : memref<3328xf32, #tpu.memory_space<hbm>>)
        tpu.yield
      }) : () -> ()
    }
    %scan3A_6 = arith.constant 4 : i32
    return
  }
}

module attributes {stable_mosaic.version = 14 : i64} {
  func.func @body(%arg0: i32, %arg1: memref<8x262144xf32, #tpu.memory_space<vmem>>, %arg2: memref<1x262144xf32, #tpu.memory_space<vmem>>, %arg3: memref<512xf32, #tpu.memory_space<any>>, %arg4: memref<128xf32, #tpu.memory_space<any>>, %arg5: memref<20800000xf32, #tpu.memory_space<any>>, %arg6: memref<2600064xf32, #tpu.memory_space<any>>, %arg7: memref<!tpu.dma_semaphore, #tpu.memory_space<semaphore_mem>>) attributes {dimension_semantics = [#tpu.dimension_semantics<arbitrary>], iteration_bounds = array<i64: 10>, scalar_prefetch = 0 : i64, scratch_operands = 1 : i64, tpu.core_type = #tpu.core_type<tc>, window_params = [{transform_indices = @transform_0, window_bounds = array<i64: 8, 262144>}, {transform_indices = @transform_1, window_bounds = array<i64: 1, 262144>}, {}, {}, {}, {}]} {
    %lt3A = arith.constant 9 : i32
    %lt3A_0 = arith.cmpi slt, %arg0, %lt3A : i32
    %convert_element_type3A = arith.extui %lt3A_0 : i1 to i32
    %cond3A = arith.constant 0 : i32
    %cond3A_1 = arith.cmpi ne, %convert_element_type3A, %cond3A : i32
    scf.if %cond3A_1 {
      %mul3A = arith.constant 262144 : i32
      %mul3A_11 = arith.muli %arg0, %mul3A : i32
      %add3A = arith.constant 0 : i32
      %add3A_12 = arith.addi %add3A, %mul3A_11 : i32
      %mul3A_13 = arith.constant 262144 : i32
      %mul3A_14 = arith.muli %arg0, %mul3A_13 : i32
      %add3A_15 = arith.constant 2599936 : i32
      %add3A_16 = arith.addi %add3A_15, %mul3A_14 : i32
      %mul3A_17 = arith.constant 262144 : i32
      %mul3A_18 = arith.muli %arg0, %mul3A_17 : i32
      %add3A_19 = arith.constant 5199872 : i32
      %add3A_20 = arith.addi %add3A_19, %mul3A_18 : i32
      %mul3A_21 = arith.constant 262144 : i32
      %mul3A_22 = arith.muli %arg0, %mul3A_21 : i32
      %add3A_23 = arith.constant 7799808 : i32
      %add3A_24 = arith.addi %add3A_23, %mul3A_22 : i32
      %mul3A_25 = arith.constant 262144 : i32
      %mul3A_26 = arith.muli %arg0, %mul3A_25 : i32
      %add3A_27 = arith.constant 10399744 : i32
      %add3A_28 = arith.addi %add3A_27, %mul3A_26 : i32
      %mul3A_29 = arith.constant 262144 : i32
      %mul3A_30 = arith.muli %arg0, %mul3A_29 : i32
      %add3A_31 = arith.constant 12999680 : i32
      %add3A_32 = arith.addi %add3A_31, %mul3A_30 : i32
      %mul3A_33 = arith.constant 262144 : i32
      %mul3A_34 = arith.muli %arg0, %mul3A_33 : i32
      %add3A_35 = arith.constant 15599616 : i32
      %add3A_36 = arith.addi %add3A_35, %mul3A_34 : i32
      %mul3A_37 = arith.constant 262144 : i32
      %mul3A_38 = arith.muli %arg0, %mul3A_37 : i32
      %add3A_39 = arith.constant 18199552 : i32
      %add3A_40 = arith.addi %add3A_39, %mul3A_38 : i32
      %mul3A_41 = arith.constant 262144 : i32
      %mul3A_42 = arith.muli %arg0, %mul3A_41 : i32
      %dma_start3A = arith.constant 0 : i32
      %dma_start3A_43 = tpu.memref_slice %arg5[%add3A_12] : memref<20800000xf32, #tpu.memory_space<any>> -> memref<262144xf32, #tpu.memory_space<any>>
      %dma_start3A_44 = arith.constant 0 : i32
      %dma_start3A_45 = tpu.memref_slice %arg1[%dma_start3A, %dma_start3A_44] : memref<8x262144xf32, #tpu.memory_space<vmem>> -> memref<1x262144xf32, #tpu.memory_space<vmem>>
      %dma_start3A_46 = tpu.memref_squeeze %dma_start3A_45 : memref<1x262144xf32, #tpu.memory_space<vmem>> -> memref<262144xf32, #tpu.memory_space<vmem>>
      tpu.enqueue_dma source(%dma_start3A_46 : memref<262144xf32, #tpu.memory_space<vmem>>) target(%dma_start3A_43 : memref<262144xf32, #tpu.memory_space<any>>) target_semaphore(%arg7 : memref<!tpu.dma_semaphore, #tpu.memory_space<semaphore_mem>>)
      %dma_start3A_47 = arith.constant 1 : i32
      %dma_start3A_48 = tpu.memref_slice %arg5[%add3A_16] : memref<20800000xf32, #tpu.memory_space<any>> -> memref<262144xf32, #tpu.memory_space<any>>
      %dma_start3A_49 = arith.constant 0 : i32
      %dma_start3A_50 = tpu.memref_slice %arg1[%dma_start3A_47, %dma_start3A_49] : memref<8x262144xf32, #tpu.memory_space<vmem>> -> memref<1x262144xf32, #tpu.memory_space<vmem>>
      %dma_start3A_51 = tpu.memref_squeeze %dma_start3A_50 : memref<1x262144xf32, #tpu.memory_space<vmem>> -> memref<262144xf32, #tpu.memory_space<vmem>>
      tpu.enqueue_dma source(%dma_start3A_51 : memref<262144xf32, #tpu.memory_space<vmem>>) target(%dma_start3A_48 : memref<262144xf32, #tpu.memory_space<any>>) target_semaphore(%arg7 : memref<!tpu.dma_semaphore, #tpu.memory_space<semaphore_mem>>)
      %dma_start3A_52 = arith.constant 2 : i32
      %dma_start3A_53 = tpu.memref_slice %arg5[%add3A_20] : memref<20800000xf32, #tpu.memory_space<any>> -> memref<262144xf32, #tpu.memory_space<any>>
      %dma_start3A_54 = arith.constant 0 : i32
      %dma_start3A_55 = tpu.memref_slice %arg1[%dma_start3A_52, %dma_start3A_54] : memref<8x262144xf32, #tpu.memory_space<vmem>> -> memref<1x262144xf32, #tpu.memory_space<vmem>>
      %dma_start3A_56 = tpu.memref_squeeze %dma_start3A_55 : memref<1x262144xf32, #tpu.memory_space<vmem>> -> memref<262144xf32, #tpu.memory_space<vmem>>
      tpu.enqueue_dma source(%dma_start3A_56 : memref<262144xf32, #tpu.memory_space<vmem>>) target(%dma_start3A_53 : memref<262144xf32, #tpu.memory_space<any>>) target_semaphore(%arg7 : memref<!tpu.dma_semaphore, #tpu.memory_space<semaphore_mem>>)
      %dma_start3A_57 = arith.constant 3 : i32
      %dma_start3A_58 = tpu.memref_slice %arg5[%add3A_24] : memref<20800000xf32, #tpu.memory_space<any>> -> memref<262144xf32, #tpu.memory_space<any>>
      %dma_start3A_59 = arith.constant 0 : i32
      %dma_start3A_60 = tpu.memref_slice %arg1[%dma_start3A_57, %dma_start3A_59] : memref<8x262144xf32, #tpu.memory_space<vmem>> -> memref<1x262144xf32, #tpu.memory_space<vmem>>
      %dma_start3A_61 = tpu.memref_squeeze %dma_start3A_60 : memref<1x262144xf32, #tpu.memory_space<vmem>> -> memref<262144xf32, #tpu.memory_space<vmem>>
      tpu.enqueue_dma source(%dma_start3A_61 : memref<262144xf32, #tpu.memory_space<vmem>>) target(%dma_start3A_58 : memref<262144xf32, #tpu.memory_space<any>>) target_semaphore(%arg7 : memref<!tpu.dma_semaphore, #tpu.memory_space<semaphore_mem>>)
      %dma_start3A_62 = arith.constant 4 : i32
      %dma_start3A_63 = tpu.memref_slice %arg5[%add3A_28] : memref<20800000xf32, #tpu.memory_space<any>> -> memref<262144xf32, #tpu.memory_space<any>>
      %dma_start3A_64 = arith.constant 0 : i32
      %dma_start3A_65 = tpu.memref_slice %arg1[%dma_start3A_62, %dma_start3A_64] : memref<8x262144xf32, #tpu.memory_space<vmem>> -> memref<1x262144xf32, #tpu.memory_space<vmem>>
      %dma_start3A_66 = tpu.memref_squeeze %dma_start3A_65 : memref<1x262144xf32, #tpu.memory_space<vmem>> -> memref<262144xf32, #tpu.memory_space<vmem>>
      tpu.enqueue_dma source(%dma_start3A_66 : memref<262144xf32, #tpu.memory_space<vmem>>) target(%dma_start3A_63 : memref<262144xf32, #tpu.memory_space<any>>) target_semaphore(%arg7 : memref<!tpu.dma_semaphore, #tpu.memory_space<semaphore_mem>>)
      %dma_start3A_67 = arith.constant 5 : i32
      %dma_start3A_68 = tpu.memref_slice %arg5[%add3A_32] : memref<20800000xf32, #tpu.memory_space<any>> -> memref<262144xf32, #tpu.memory_space<any>>
      %dma_start3A_69 = arith.constant 0 : i32
      %dma_start3A_70 = tpu.memref_slice %arg1[%dma_start3A_67, %dma_start3A_69] : memref<8x262144xf32, #tpu.memory_space<vmem>> -> memref<1x262144xf32, #tpu.memory_space<vmem>>
      %dma_start3A_71 = tpu.memref_squeeze %dma_start3A_70 : memref<1x262144xf32, #tpu.memory_space<vmem>> -> memref<262144xf32, #tpu.memory_space<vmem>>
      tpu.enqueue_dma source(%dma_start3A_71 : memref<262144xf32, #tpu.memory_space<vmem>>) target(%dma_start3A_68 : memref<262144xf32, #tpu.memory_space<any>>) target_semaphore(%arg7 : memref<!tpu.dma_semaphore, #tpu.memory_space<semaphore_mem>>)
      %dma_start3A_72 = arith.constant 6 : i32
      %dma_start3A_73 = tpu.memref_slice %arg5[%add3A_36] : memref<20800000xf32, #tpu.memory_space<any>> -> memref<262144xf32, #tpu.memory_space<any>>
      %dma_start3A_74 = arith.constant 0 : i32
      %dma_start3A_75 = tpu.memref_slice %arg1[%dma_start3A_72, %dma_start3A_74] : memref<8x262144xf32, #tpu.memory_space<vmem>> -> memref<1x262144xf32, #tpu.memory_space<vmem>>
      %dma_start3A_76 = tpu.memref_squeeze %dma_start3A_75 : memref<1x262144xf32, #tpu.memory_space<vmem>> -> memref<262144xf32, #tpu.memory_space<vmem>>
      tpu.enqueue_dma source(%dma_start3A_76 : memref<262144xf32, #tpu.memory_space<vmem>>) target(%dma_start3A_73 : memref<262144xf32, #tpu.memory_space<any>>) target_semaphore(%arg7 : memref<!tpu.dma_semaphore, #tpu.memory_space<semaphore_mem>>)
      %dma_start3A_77 = arith.constant 7 : i32
      %dma_start3A_78 = tpu.memref_slice %arg5[%add3A_40] : memref<20800000xf32, #tpu.memory_space<any>> -> memref<262144xf32, #tpu.memory_space<any>>
      %dma_start3A_79 = arith.constant 0 : i32
      %dma_start3A_80 = tpu.memref_slice %arg1[%dma_start3A_77, %dma_start3A_79] : memref<8x262144xf32, #tpu.memory_space<vmem>> -> memref<1x262144xf32, #tpu.memory_space<vmem>>
      %dma_start3A_81 = tpu.memref_squeeze %dma_start3A_80 : memref<1x262144xf32, #tpu.memory_space<vmem>> -> memref<262144xf32, #tpu.memory_space<vmem>>
      tpu.enqueue_dma source(%dma_start3A_81 : memref<262144xf32, #tpu.memory_space<vmem>>) target(%dma_start3A_78 : memref<262144xf32, #tpu.memory_space<any>>) target_semaphore(%arg7 : memref<!tpu.dma_semaphore, #tpu.memory_space<semaphore_mem>>)
      %dma_start3A_82 = arith.constant 0 : i32
      %dma_start3A_83 = tpu.memref_slice %arg6[%mul3A_42] : memref<2600064xf32, #tpu.memory_space<any>> -> memref<262144xf32, #tpu.memory_space<any>>
      %dma_start3A_84 = arith.constant 0 : i32
      %dma_start3A_85 = tpu.memref_slice %arg2[%dma_start3A_82, %dma_start3A_84] : memref<1x262144xf32, #tpu.memory_space<vmem>> -> memref<1x262144xf32, #tpu.memory_space<vmem>>
      %dma_start3A_86 = tpu.memref_squeeze %dma_start3A_85 : memref<1x262144xf32, #tpu.memory_space<vmem>> -> memref<262144xf32, #tpu.memory_space<vmem>>
      tpu.enqueue_dma source(%dma_start3A_86 : memref<262144xf32, #tpu.memory_space<vmem>>) target(%dma_start3A_83 : memref<262144xf32, #tpu.memory_space<any>>) target_semaphore(%arg7 : memref<!tpu.dma_semaphore, #tpu.memory_space<semaphore_mem>>)
      %dma_wait3A = arith.constant 0 : i32
      %dma_wait3A_87 = tpu.memref_slice %arg5[%add3A_12] : memref<20800000xf32, #tpu.memory_space<any>> -> memref<262144xf32, #tpu.memory_space<any>>
      %dma_wait3A_88 = arith.constant 0 : i32
      %dma_wait3A_89 = tpu.memref_slice %arg1[%dma_wait3A, %dma_wait3A_88] : memref<8x262144xf32, #tpu.memory_space<vmem>> -> memref<1x262144xf32, #tpu.memory_space<vmem>>
      %dma_wait3A_90 = tpu.memref_squeeze %dma_wait3A_89 : memref<1x262144xf32, #tpu.memory_space<vmem>> -> memref<262144xf32, #tpu.memory_space<vmem>>
      tpu.wait_dma2 semaphore(%arg7 : memref<!tpu.dma_semaphore, #tpu.memory_space<semaphore_mem>>) src(%dma_wait3A_90 : memref<262144xf32, #tpu.memory_space<vmem>>) dst(%dma_wait3A_87 : memref<262144xf32, #tpu.memory_space<any>>)
      %dma_wait3A_91 = arith.constant 1 : i32
      %dma_wait3A_92 = tpu.memref_slice %arg5[%add3A_16] : memref<20800000xf32, #tpu.memory_space<any>> -> memref<262144xf32, #tpu.memory_space<any>>
      %dma_wait3A_93 = arith.constant 0 : i32
      %dma_wait3A_94 = tpu.memref_slice %arg1[%dma_wait3A_91, %dma_wait3A_93] : memref<8x262144xf32, #tpu.memory_space<vmem>> -> memref<1x262144xf32, #tpu.memory_space<vmem>>
      %dma_wait3A_95 = tpu.memref_squeeze %dma_wait3A_94 : memref<1x262144xf32, #tpu.memory_space<vmem>> -> memref<262144xf32, #tpu.memory_space<vmem>>
      tpu.wait_dma2 semaphore(%arg7 : memref<!tpu.dma_semaphore, #tpu.memory_space<semaphore_mem>>) src(%dma_wait3A_95 : memref<262144xf32, #tpu.memory_space<vmem>>) dst(%dma_wait3A_92 : memref<262144xf32, #tpu.memory_space<any>>)
      %dma_wait3A_96 = arith.constant 2 : i32
      %dma_wait3A_97 = tpu.memref_slice %arg5[%add3A_20] : memref<20800000xf32, #tpu.memory_space<any>> -> memref<262144xf32, #tpu.memory_space<any>>
      %dma_wait3A_98 = arith.constant 0 : i32
      %dma_wait3A_99 = tpu.memref_slice %arg1[%dma_wait3A_96, %dma_wait3A_98] : memref<8x262144xf32, #tpu.memory_space<vmem>> -> memref<1x262144xf32, #tpu.memory_space<vmem>>
      %dma_wait3A_100 = tpu.memref_squeeze %dma_wait3A_99 : memref<1x262144xf32, #tpu.memory_space<vmem>> -> memref<262144xf32, #tpu.memory_space<vmem>>
      tpu.wait_dma2 semaphore(%arg7 : memref<!tpu.dma_semaphore, #tpu.memory_space<semaphore_mem>>) src(%dma_wait3A_100 : memref<262144xf32, #tpu.memory_space<vmem>>) dst(%dma_wait3A_97 : memref<262144xf32, #tpu.memory_space<any>>)
      %dma_wait3A_101 = arith.constant 3 : i32
      %dma_wait3A_102 = tpu.memref_slice %arg5[%add3A_24] : memref<20800000xf32, #tpu.memory_space<any>> -> memref<262144xf32, #tpu.memory_space<any>>
      %dma_wait3A_103 = arith.constant 0 : i32
      %dma_wait3A_104 = tpu.memref_slice %arg1[%dma_wait3A_101, %dma_wait3A_103] : memref<8x262144xf32, #tpu.memory_space<vmem>> -> memref<1x262144xf32, #tpu.memory_space<vmem>>
      %dma_wait3A_105 = tpu.memref_squeeze %dma_wait3A_104 : memref<1x262144xf32, #tpu.memory_space<vmem>> -> memref<262144xf32, #tpu.memory_space<vmem>>
      tpu.wait_dma2 semaphore(%arg7 : memref<!tpu.dma_semaphore, #tpu.memory_space<semaphore_mem>>) src(%dma_wait3A_105 : memref<262144xf32, #tpu.memory_space<vmem>>) dst(%dma_wait3A_102 : memref<262144xf32, #tpu.memory_space<any>>)
      %dma_wait3A_106 = arith.constant 4 : i32
      %dma_wait3A_107 = tpu.memref_slice %arg5[%add3A_28] : memref<20800000xf32, #tpu.memory_space<any>> -> memref<262144xf32, #tpu.memory_space<any>>
      %dma_wait3A_108 = arith.constant 0 : i32
      %dma_wait3A_109 = tpu.memref_slice %arg1[%dma_wait3A_106, %dma_wait3A_108] : memref<8x262144xf32, #tpu.memory_space<vmem>> -> memref<1x262144xf32, #tpu.memory_space<vmem>>
      %dma_wait3A_110 = tpu.memref_squeeze %dma_wait3A_109 : memref<1x262144xf32, #tpu.memory_space<vmem>> -> memref<262144xf32, #tpu.memory_space<vmem>>
      tpu.wait_dma2 semaphore(%arg7 : memref<!tpu.dma_semaphore, #tpu.memory_space<semaphore_mem>>) src(%dma_wait3A_110 : memref<262144xf32, #tpu.memory_space<vmem>>) dst(%dma_wait3A_107 : memref<262144xf32, #tpu.memory_space<any>>)
      %dma_wait3A_111 = arith.constant 5 : i32
      %dma_wait3A_112 = tpu.memref_slice %arg5[%add3A_32] : memref<20800000xf32, #tpu.memory_space<any>> -> memref<262144xf32, #tpu.memory_space<any>>
      %dma_wait3A_113 = arith.constant 0 : i32
      %dma_wait3A_114 = tpu.memref_slice %arg1[%dma_wait3A_111, %dma_wait3A_113] : memref<8x262144xf32, #tpu.memory_space<vmem>> -> memref<1x262144xf32, #tpu.memory_space<vmem>>
      %dma_wait3A_115 = tpu.memref_squeeze %dma_wait3A_114 : memref<1x262144xf32, #tpu.memory_space<vmem>> -> memref<262144xf32, #tpu.memory_space<vmem>>
      tpu.wait_dma2 semaphore(%arg7 : memref<!tpu.dma_semaphore, #tpu.memory_space<semaphore_mem>>) src(%dma_wait3A_115 : memref<262144xf32, #tpu.memory_space<vmem>>) dst(%dma_wait3A_112 : memref<262144xf32, #tpu.memory_space<any>>)
      %dma_wait3A_116 = arith.constant 6 : i32
      %dma_wait3A_117 = tpu.memref_slice %arg5[%add3A_36] : memref<20800000xf32, #tpu.memory_space<any>> -> memref<262144xf32, #tpu.memory_space<any>>
      %dma_wait3A_118 = arith.constant 0 : i32
      %dma_wait3A_119 = tpu.memref_slice %arg1[%dma_wait3A_116, %dma_wait3A_118] : memref<8x262144xf32, #tpu.memory_space<vmem>> -> memref<1x262144xf32, #tpu.memory_space<vmem>>
      %dma_wait3A_120 = tpu.memref_squeeze %dma_wait3A_119 : memref<1x262144xf32, #tpu.memory_space<vmem>> -> memref<262144xf32, #tpu.memory_space<vmem>>
      tpu.wait_dma2 semaphore(%arg7 : memref<!tpu.dma_semaphore, #tpu.memory_space<semaphore_mem>>) src(%dma_wait3A_120 : memref<262144xf32, #tpu.memory_space<vmem>>) dst(%dma_wait3A_117 : memref<262144xf32, #tpu.memory_space<any>>)
      %dma_wait3A_121 = arith.constant 7 : i32
      %dma_wait3A_122 = tpu.memref_slice %arg5[%add3A_40] : memref<20800000xf32, #tpu.memory_space<any>> -> memref<262144xf32, #tpu.memory_space<any>>
      %dma_wait3A_123 = arith.constant 0 : i32
      %dma_wait3A_124 = tpu.memref_slice %arg1[%dma_wait3A_121, %dma_wait3A_123] : memref<8x262144xf32, #tpu.memory_space<vmem>> -> memref<1x262144xf32, #tpu.memory_space<vmem>>
      %dma_wait3A_125 = tpu.memref_squeeze %dma_wait3A_124 : memref<1x262144xf32, #tpu.memory_space<vmem>> -> memref<262144xf32, #tpu.memory_space<vmem>>
      tpu.wait_dma2 semaphore(%arg7 : memref<!tpu.dma_semaphore, #tpu.memory_space<semaphore_mem>>) src(%dma_wait3A_125 : memref<262144xf32, #tpu.memory_space<vmem>>) dst(%dma_wait3A_122 : memref<262144xf32, #tpu.memory_space<any>>)
      %dma_wait3A_126 = arith.constant 0 : i32
      %dma_wait3A_127 = tpu.memref_slice %arg6[%mul3A_42] : memref<2600064xf32, #tpu.memory_space<any>> -> memref<262144xf32, #tpu.memory_space<any>>
      %dma_wait3A_128 = arith.constant 0 : i32
      %dma_wait3A_129 = tpu.memref_slice %arg2[%dma_wait3A_126, %dma_wait3A_128] : memref<1x262144xf32, #tpu.memory_space<vmem>> -> memref<1x262144xf32, #tpu.memory_space<vmem>>
      %dma_wait3A_130 = tpu.memref_squeeze %dma_wait3A_129 : memref<1x262144xf32, #tpu.memory_space<vmem>> -> memref<262144xf32, #tpu.memory_space<vmem>>
      tpu.wait_dma2 semaphore(%arg7 : memref<!tpu.dma_semaphore, #tpu.memory_space<semaphore_mem>>) src(%dma_wait3A_130 : memref<262144xf32, #tpu.memory_space<vmem>>) dst(%dma_wait3A_127 : memref<262144xf32, #tpu.memory_space<any>>)
    } else {
    }
    %eq3A = arith.constant 9 : i32
    %eq3A_2 = arith.cmpi eq, %arg0, %eq3A : i32
    %convert_element_type3A_3 = arith.extui %eq3A_2 : i1 to i32
    %cond3A_4 = arith.constant 0 : i32
    %cond3A_5 = arith.cmpi ne, %convert_element_type3A_3, %cond3A_4 : i32
    scf.if %cond3A_5 {
      %mul3A = arith.constant 262144 : i32
      %mul3A_11 = arith.muli %arg0, %mul3A : i32
      %add3A = arith.constant 0 : i32
      %add3A_12 = arith.addi %add3A, %mul3A_11 : i32
      %mul3A_13 = arith.constant 262144 : i32
      %mul3A_14 = arith.muli %arg0, %mul3A_13 : i32
      %add3A_15 = arith.constant 2599936 : i32
      %add3A_16 = arith.addi %add3A_15, %mul3A_14 : i32
      %mul3A_17 = arith.constant 262144 : i32
      %mul3A_18 = arith.muli %arg0, %mul3A_17 : i32
      %add3A_19 = arith.constant 5199872 : i32
      %add3A_20 = arith.addi %add3A_19, %mul3A_18 : i32
      %mul3A_21 = arith.constant 262144 : i32
      %mul3A_22 = arith.muli %arg0, %mul3A_21 : i32
      %add3A_23 = arith.constant 7799808 : i32
      %add3A_24 = arith.addi %add3A_23, %mul3A_22 : i32
      %mul3A_25 = arith.constant 262144 : i32
      %mul3A_26 = arith.muli %arg0, %mul3A_25 : i32
      %add3A_27 = arith.constant 10399744 : i32
      %add3A_28 = arith.addi %add3A_27, %mul3A_26 : i32
      %mul3A_29 = arith.constant 262144 : i32
      %mul3A_30 = arith.muli %arg0, %mul3A_29 : i32
      %add3A_31 = arith.constant 12999680 : i32
      %add3A_32 = arith.addi %add3A_31, %mul3A_30 : i32
      %mul3A_33 = arith.constant 262144 : i32
      %mul3A_34 = arith.muli %arg0, %mul3A_33 : i32
      %add3A_35 = arith.constant 15599616 : i32
      %add3A_36 = arith.addi %add3A_35, %mul3A_34 : i32
      %mul3A_37 = arith.constant 262144 : i32
      %mul3A_38 = arith.muli %arg0, %mul3A_37 : i32
      %add3A_39 = arith.constant 18199552 : i32
      %add3A_40 = arith.addi %add3A_39, %mul3A_38 : i32
      %mul3A_41 = arith.constant 262144 : i32
      %mul3A_42 = arith.muli %arg0, %mul3A_41 : i32
      %dma_start3A = arith.constant 0 : i32
      %dma_start3A_43 = tpu.memref_slice %arg5[%add3A_12] : memref<20800000xf32, #tpu.memory_space<any>> -> memref<240640xf32, #tpu.memory_space<any>>
      %dma_start3A_44 = arith.constant 0 : i32
      %dma_start3A_45 = tpu.memref_slice %arg1[%dma_start3A, %dma_start3A_44] : memref<8x262144xf32, #tpu.memory_space<vmem>> -> memref<1x240640xf32, #tpu.memory_space<vmem>>
      %dma_start3A_46 = tpu.memref_squeeze %dma_start3A_45 : memref<1x240640xf32, #tpu.memory_space<vmem>> -> memref<240640xf32, #tpu.memory_space<vmem>>
      tpu.enqueue_dma source(%dma_start3A_46 : memref<240640xf32, #tpu.memory_space<vmem>>) target(%dma_start3A_43 : memref<240640xf32, #tpu.memory_space<any>>) target_semaphore(%arg7 : memref<!tpu.dma_semaphore, #tpu.memory_space<semaphore_mem>>)
      %dma_start3A_47 = arith.constant 1 : i32
      %dma_start3A_48 = tpu.memref_slice %arg5[%add3A_16] : memref<20800000xf32, #tpu.memory_space<any>> -> memref<240640xf32, #tpu.memory_space<any>>
      %dma_start3A_49 = arith.constant 0 : i32
      %dma_start3A_50 = tpu.memref_slice %arg1[%dma_start3A_47, %dma_start3A_49] : memref<8x262144xf32, #tpu.memory_space<vmem>> -> memref<1x240640xf32, #tpu.memory_space<vmem>>
      %dma_start3A_51 = tpu.memref_squeeze %dma_start3A_50 : memref<1x240640xf32, #tpu.memory_space<vmem>> -> memref<240640xf32, #tpu.memory_space<vmem>>
      tpu.enqueue_dma source(%dma_start3A_51 : memref<240640xf32, #tpu.memory_space<vmem>>) target(%dma_start3A_48 : memref<240640xf32, #tpu.memory_space<any>>) target_semaphore(%arg7 : memref<!tpu.dma_semaphore, #tpu.memory_space<semaphore_mem>>)
      %dma_start3A_52 = arith.constant 2 : i32
      %dma_start3A_53 = tpu.memref_slice %arg5[%add3A_20] : memref<20800000xf32, #tpu.memory_space<any>> -> memref<240640xf32, #tpu.memory_space<any>>
      %dma_start3A_54 = arith.constant 0 : i32
      %dma_start3A_55 = tpu.memref_slice %arg1[%dma_start3A_52, %dma_start3A_54] : memref<8x262144xf32, #tpu.memory_space<vmem>> -> memref<1x240640xf32, #tpu.memory_space<vmem>>
      %dma_start3A_56 = tpu.memref_squeeze %dma_start3A_55 : memref<1x240640xf32, #tpu.memory_space<vmem>> -> memref<240640xf32, #tpu.memory_space<vmem>>
      tpu.enqueue_dma source(%dma_start3A_56 : memref<240640xf32, #tpu.memory_space<vmem>>) target(%dma_start3A_53 : memref<240640xf32, #tpu.memory_space<any>>) target_semaphore(%arg7 : memref<!tpu.dma_semaphore, #tpu.memory_space<semaphore_mem>>)
      %dma_start3A_57 = arith.constant 3 : i32
      %dma_start3A_58 = tpu.memref_slice %arg5[%add3A_24] : memref<20800000xf32, #tpu.memory_space<any>> -> memref<240640xf32, #tpu.memory_space<any>>
      %dma_start3A_59 = arith.constant 0 : i32
      %dma_start3A_60 = tpu.memref_slice %arg1[%dma_start3A_57, %dma_start3A_59] : memref<8x262144xf32, #tpu.memory_space<vmem>> -> memref<1x240640xf32, #tpu.memory_space<vmem>>
      %dma_start3A_61 = tpu.memref_squeeze %dma_start3A_60 : memref<1x240640xf32, #tpu.memory_space<vmem>> -> memref<240640xf32, #tpu.memory_space<vmem>>
      tpu.enqueue_dma source(%dma_start3A_61 : memref<240640xf32, #tpu.memory_space<vmem>>) target(%dma_start3A_58 : memref<240640xf32, #tpu.memory_space<any>>) target_semaphore(%arg7 : memref<!tpu.dma_semaphore, #tpu.memory_space<semaphore_mem>>)
      %dma_start3A_62 = arith.constant 4 : i32
      %dma_start3A_63 = tpu.memref_slice %arg5[%add3A_28] : memref<20800000xf32, #tpu.memory_space<any>> -> memref<240640xf32, #tpu.memory_space<any>>
      %dma_start3A_64 = arith.constant 0 : i32
      %dma_start3A_65 = tpu.memref_slice %arg1[%dma_start3A_62, %dma_start3A_64] : memref<8x262144xf32, #tpu.memory_space<vmem>> -> memref<1x240640xf32, #tpu.memory_space<vmem>>
      %dma_start3A_66 = tpu.memref_squeeze %dma_start3A_65 : memref<1x240640xf32, #tpu.memory_space<vmem>> -> memref<240640xf32, #tpu.memory_space<vmem>>
      tpu.enqueue_dma source(%dma_start3A_66 : memref<240640xf32, #tpu.memory_space<vmem>>) target(%dma_start3A_63 : memref<240640xf32, #tpu.memory_space<any>>) target_semaphore(%arg7 : memref<!tpu.dma_semaphore, #tpu.memory_space<semaphore_mem>>)
      %dma_start3A_67 = arith.constant 5 : i32
      %dma_start3A_68 = tpu.memref_slice %arg5[%add3A_32] : memref<20800000xf32, #tpu.memory_space<any>> -> memref<240640xf32, #tpu.memory_space<any>>
      %dma_start3A_69 = arith.constant 0 : i32
      %dma_start3A_70 = tpu.memref_slice %arg1[%dma_start3A_67, %dma_start3A_69] : memref<8x262144xf32, #tpu.memory_space<vmem>> -> memref<1x240640xf32, #tpu.memory_space<vmem>>
      %dma_start3A_71 = tpu.memref_squeeze %dma_start3A_70 : memref<1x240640xf32, #tpu.memory_space<vmem>> -> memref<240640xf32, #tpu.memory_space<vmem>>
      tpu.enqueue_dma source(%dma_start3A_71 : memref<240640xf32, #tpu.memory_space<vmem>>) target(%dma_start3A_68 : memref<240640xf32, #tpu.memory_space<any>>) target_semaphore(%arg7 : memref<!tpu.dma_semaphore, #tpu.memory_space<semaphore_mem>>)
      %dma_start3A_72 = arith.constant 6 : i32
      %dma_start3A_73 = tpu.memref_slice %arg5[%add3A_36] : memref<20800000xf32, #tpu.memory_space<any>> -> memref<240640xf32, #tpu.memory_space<any>>
      %dma_start3A_74 = arith.constant 0 : i32
      %dma_start3A_75 = tpu.memref_slice %arg1[%dma_start3A_72, %dma_start3A_74] : memref<8x262144xf32, #tpu.memory_space<vmem>> -> memref<1x240640xf32, #tpu.memory_space<vmem>>
      %dma_start3A_76 = tpu.memref_squeeze %dma_start3A_75 : memref<1x240640xf32, #tpu.memory_space<vmem>> -> memref<240640xf32, #tpu.memory_space<vmem>>
      tpu.enqueue_dma source(%dma_start3A_76 : memref<240640xf32, #tpu.memory_space<vmem>>) target(%dma_start3A_73 : memref<240640xf32, #tpu.memory_space<any>>) target_semaphore(%arg7 : memref<!tpu.dma_semaphore, #tpu.memory_space<semaphore_mem>>)
      %dma_start3A_77 = arith.constant 7 : i32
      %dma_start3A_78 = tpu.memref_slice %arg5[%add3A_40] : memref<20800000xf32, #tpu.memory_space<any>> -> memref<240640xf32, #tpu.memory_space<any>>
      %dma_start3A_79 = arith.constant 0 : i32
      %dma_start3A_80 = tpu.memref_slice %arg1[%dma_start3A_77, %dma_start3A_79] : memref<8x262144xf32, #tpu.memory_space<vmem>> -> memref<1x240640xf32, #tpu.memory_space<vmem>>
      %dma_start3A_81 = tpu.memref_squeeze %dma_start3A_80 : memref<1x240640xf32, #tpu.memory_space<vmem>> -> memref<240640xf32, #tpu.memory_space<vmem>>
      tpu.enqueue_dma source(%dma_start3A_81 : memref<240640xf32, #tpu.memory_space<vmem>>) target(%dma_start3A_78 : memref<240640xf32, #tpu.memory_space<any>>) target_semaphore(%arg7 : memref<!tpu.dma_semaphore, #tpu.memory_space<semaphore_mem>>)
      %dma_start3A_82 = arith.constant 0 : i32
      %dma_start3A_83 = tpu.memref_slice %arg6[%mul3A_42] : memref<2600064xf32, #tpu.memory_space<any>> -> memref<240640xf32, #tpu.memory_space<any>>
      %dma_start3A_84 = arith.constant 0 : i32
      %dma_start3A_85 = tpu.memref_slice %arg2[%dma_start3A_82, %dma_start3A_84] : memref<1x262144xf32, #tpu.memory_space<vmem>> -> memref<1x240640xf32, #tpu.memory_space<vmem>>
      %dma_start3A_86 = tpu.memref_squeeze %dma_start3A_85 : memref<1x240640xf32, #tpu.memory_space<vmem>> -> memref<240640xf32, #tpu.memory_space<vmem>>
      tpu.enqueue_dma source(%dma_start3A_86 : memref<240640xf32, #tpu.memory_space<vmem>>) target(%dma_start3A_83 : memref<240640xf32, #tpu.memory_space<any>>) target_semaphore(%arg7 : memref<!tpu.dma_semaphore, #tpu.memory_space<semaphore_mem>>)
      %dma_wait3A = arith.constant 0 : i32
      %dma_wait3A_87 = tpu.memref_slice %arg5[%add3A_12] : memref<20800000xf32, #tpu.memory_space<any>> -> memref<240640xf32, #tpu.memory_space<any>>
      %dma_wait3A_88 = arith.constant 0 : i32
      %dma_wait3A_89 = tpu.memref_slice %arg1[%dma_wait3A, %dma_wait3A_88] : memref<8x262144xf32, #tpu.memory_space<vmem>> -> memref<1x240640xf32, #tpu.memory_space<vmem>>
      %dma_wait3A_90 = tpu.memref_squeeze %dma_wait3A_89 : memref<1x240640xf32, #tpu.memory_space<vmem>> -> memref<240640xf32, #tpu.memory_space<vmem>>
      tpu.wait_dma2 semaphore(%arg7 : memref<!tpu.dma_semaphore, #tpu.memory_space<semaphore_mem>>) src(%dma_wait3A_90 : memref<240640xf32, #tpu.memory_space<vmem>>) dst(%dma_wait3A_87 : memref<240640xf32, #tpu.memory_space<any>>)
      %dma_wait3A_91 = arith.constant 1 : i32
      %dma_wait3A_92 = tpu.memref_slice %arg5[%add3A_16] : memref<20800000xf32, #tpu.memory_space<any>> -> memref<240640xf32, #tpu.memory_space<any>>
      %dma_wait3A_93 = arith.constant 0 : i32
      %dma_wait3A_94 = tpu.memref_slice %arg1[%dma_wait3A_91, %dma_wait3A_93] : memref<8x262144xf32, #tpu.memory_space<vmem>> -> memref<1x240640xf32, #tpu.memory_space<vmem>>
      %dma_wait3A_95 = tpu.memref_squeeze %dma_wait3A_94 : memref<1x240640xf32, #tpu.memory_space<vmem>> -> memref<240640xf32, #tpu.memory_space<vmem>>
      tpu.wait_dma2 semaphore(%arg7 : memref<!tpu.dma_semaphore, #tpu.memory_space<semaphore_mem>>) src(%dma_wait3A_95 : memref<240640xf32, #tpu.memory_space<vmem>>) dst(%dma_wait3A_92 : memref<240640xf32, #tpu.memory_space<any>>)
      %dma_wait3A_96 = arith.constant 2 : i32
      %dma_wait3A_97 = tpu.memref_slice %arg5[%add3A_20] : memref<20800000xf32, #tpu.memory_space<any>> -> memref<240640xf32, #tpu.memory_space<any>>
      %dma_wait3A_98 = arith.constant 0 : i32
      %dma_wait3A_99 = tpu.memref_slice %arg1[%dma_wait3A_96, %dma_wait3A_98] : memref<8x262144xf32, #tpu.memory_space<vmem>> -> memref<1x240640xf32, #tpu.memory_space<vmem>>
      %dma_wait3A_100 = tpu.memref_squeeze %dma_wait3A_99 : memref<1x240640xf32, #tpu.memory_space<vmem>> -> memref<240640xf32, #tpu.memory_space<vmem>>
      tpu.wait_dma2 semaphore(%arg7 : memref<!tpu.dma_semaphore, #tpu.memory_space<semaphore_mem>>) src(%dma_wait3A_100 : memref<240640xf32, #tpu.memory_space<vmem>>) dst(%dma_wait3A_97 : memref<240640xf32, #tpu.memory_space<any>>)
      %dma_wait3A_101 = arith.constant 3 : i32
      %dma_wait3A_102 = tpu.memref_slice %arg5[%add3A_24] : memref<20800000xf32, #tpu.memory_space<any>> -> memref<240640xf32, #tpu.memory_space<any>>
      %dma_wait3A_103 = arith.constant 0 : i32
      %dma_wait3A_104 = tpu.memref_slice %arg1[%dma_wait3A_101, %dma_wait3A_103] : memref<8x262144xf32, #tpu.memory_space<vmem>> -> memref<1x240640xf32, #tpu.memory_space<vmem>>
      %dma_wait3A_105 = tpu.memref_squeeze %dma_wait3A_104 : memref<1x240640xf32, #tpu.memory_space<vmem>> -> memref<240640xf32, #tpu.memory_space<vmem>>
      tpu.wait_dma2 semaphore(%arg7 : memref<!tpu.dma_semaphore, #tpu.memory_space<semaphore_mem>>) src(%dma_wait3A_105 : memref<240640xf32, #tpu.memory_space<vmem>>) dst(%dma_wait3A_102 : memref<240640xf32, #tpu.memory_space<any>>)
      %dma_wait3A_106 = arith.constant 4 : i32
      %dma_wait3A_107 = tpu.memref_slice %arg5[%add3A_28] : memref<20800000xf32, #tpu.memory_space<any>> -> memref<240640xf32, #tpu.memory_space<any>>
      %dma_wait3A_108 = arith.constant 0 : i32
      %dma_wait3A_109 = tpu.memref_slice %arg1[%dma_wait3A_106, %dma_wait3A_108] : memref<8x262144xf32, #tpu.memory_space<vmem>> -> memref<1x240640xf32, #tpu.memory_space<vmem>>
      %dma_wait3A_110 = tpu.memref_squeeze %dma_wait3A_109 : memref<1x240640xf32, #tpu.memory_space<vmem>> -> memref<240640xf32, #tpu.memory_space<vmem>>
      tpu.wait_dma2 semaphore(%arg7 : memref<!tpu.dma_semaphore, #tpu.memory_space<semaphore_mem>>) src(%dma_wait3A_110 : memref<240640xf32, #tpu.memory_space<vmem>>) dst(%dma_wait3A_107 : memref<240640xf32, #tpu.memory_space<any>>)
      %dma_wait3A_111 = arith.constant 5 : i32
      %dma_wait3A_112 = tpu.memref_slice %arg5[%add3A_32] : memref<20800000xf32, #tpu.memory_space<any>> -> memref<240640xf32, #tpu.memory_space<any>>
      %dma_wait3A_113 = arith.constant 0 : i32
      %dma_wait3A_114 = tpu.memref_slice %arg1[%dma_wait3A_111, %dma_wait3A_113] : memref<8x262144xf32, #tpu.memory_space<vmem>> -> memref<1x240640xf32, #tpu.memory_space<vmem>>
      %dma_wait3A_115 = tpu.memref_squeeze %dma_wait3A_114 : memref<1x240640xf32, #tpu.memory_space<vmem>> -> memref<240640xf32, #tpu.memory_space<vmem>>
      tpu.wait_dma2 semaphore(%arg7 : memref<!tpu.dma_semaphore, #tpu.memory_space<semaphore_mem>>) src(%dma_wait3A_115 : memref<240640xf32, #tpu.memory_space<vmem>>) dst(%dma_wait3A_112 : memref<240640xf32, #tpu.memory_space<any>>)
      %dma_wait3A_116 = arith.constant 6 : i32
      %dma_wait3A_117 = tpu.memref_slice %arg5[%add3A_36] : memref<20800000xf32, #tpu.memory_space<any>> -> memref<240640xf32, #tpu.memory_space<any>>
      %dma_wait3A_118 = arith.constant 0 : i32
      %dma_wait3A_119 = tpu.memref_slice %arg1[%dma_wait3A_116, %dma_wait3A_118] : memref<8x262144xf32, #tpu.memory_space<vmem>> -> memref<1x240640xf32, #tpu.memory_space<vmem>>
      %dma_wait3A_120 = tpu.memref_squeeze %dma_wait3A_119 : memref<1x240640xf32, #tpu.memory_space<vmem>> -> memref<240640xf32, #tpu.memory_space<vmem>>
      tpu.wait_dma2 semaphore(%arg7 : memref<!tpu.dma_semaphore, #tpu.memory_space<semaphore_mem>>) src(%dma_wait3A_120 : memref<240640xf32, #tpu.memory_space<vmem>>) dst(%dma_wait3A_117 : memref<240640xf32, #tpu.memory_space<any>>)
      %dma_wait3A_121 = arith.constant 7 : i32
      %dma_wait3A_122 = tpu.memref_slice %arg5[%add3A_40] : memref<20800000xf32, #tpu.memory_space<any>> -> memref<240640xf32, #tpu.memory_space<any>>
      %dma_wait3A_123 = arith.constant 0 : i32
      %dma_wait3A_124 = tpu.memref_slice %arg1[%dma_wait3A_121, %dma_wait3A_123] : memref<8x262144xf32, #tpu.memory_space<vmem>> -> memref<1x240640xf32, #tpu.memory_space<vmem>>
      %dma_wait3A_125 = tpu.memref_squeeze %dma_wait3A_124 : memref<1x240640xf32, #tpu.memory_space<vmem>> -> memref<240640xf32, #tpu.memory_space<vmem>>
      tpu.wait_dma2 semaphore(%arg7 : memref<!tpu.dma_semaphore, #tpu.memory_space<semaphore_mem>>) src(%dma_wait3A_125 : memref<240640xf32, #tpu.memory_space<vmem>>) dst(%dma_wait3A_122 : memref<240640xf32, #tpu.memory_space<any>>)
      %dma_wait3A_126 = arith.constant 0 : i32
      %dma_wait3A_127 = tpu.memref_slice %arg6[%mul3A_42] : memref<2600064xf32, #tpu.memory_space<any>> -> memref<240640xf32, #tpu.memory_space<any>>
      %dma_wait3A_128 = arith.constant 0 : i32
      %dma_wait3A_129 = tpu.memref_slice %arg2[%dma_wait3A_126, %dma_wait3A_128] : memref<1x262144xf32, #tpu.memory_space<vmem>> -> memref<1x240640xf32, #tpu.memory_space<vmem>>
      %dma_wait3A_130 = tpu.memref_squeeze %dma_wait3A_129 : memref<1x240640xf32, #tpu.memory_space<vmem>> -> memref<240640xf32, #tpu.memory_space<vmem>>
      tpu.wait_dma2 semaphore(%arg7 : memref<!tpu.dma_semaphore, #tpu.memory_space<semaphore_mem>>) src(%dma_wait3A_130 : memref<240640xf32, #tpu.memory_space<vmem>>) dst(%dma_wait3A_127 : memref<240640xf32, #tpu.memory_space<any>>)
    } else {
    }
    %eq3A_6 = arith.constant 0 : i32
    %eq3A_7 = arith.cmpi eq, %arg0, %eq3A_6 : i32
    %convert_element_type3A_8 = arith.extui %eq3A_7 : i1 to i32
    %cond3A_9 = arith.constant 0 : i32
    %cond3A_10 = arith.cmpi ne, %convert_element_type3A_8, %cond3A_9 : i32
    scf.if %cond3A_10 {
      %dma_start3A = arith.constant 20799488 : i32
      %dma_start3A_11 = tpu.memref_slice %arg5[%dma_start3A] : memref<20800000xf32, #tpu.memory_space<any>> -> memref<512xf32, #tpu.memory_space<any>>
      tpu.enqueue_dma source(%arg3 : memref<512xf32, #tpu.memory_space<any>>) target(%dma_start3A_11 : memref<512xf32, #tpu.memory_space<any>>) target_semaphore(%arg7 : memref<!tpu.dma_semaphore, #tpu.memory_space<semaphore_mem>>)
      %dma_start3A_12 = arith.constant 2599936 : i32
      %dma_start3A_13 = tpu.memref_slice %arg6[%dma_start3A_12] : memref<2600064xf32, #tpu.memory_space<any>> -> memref<128xf32, #tpu.memory_space<any>>
      tpu.enqueue_dma source(%arg4 : memref<128xf32, #tpu.memory_space<any>>) target(%dma_start3A_13 : memref<128xf32, #tpu.memory_space<any>>) target_semaphore(%arg7 : memref<!tpu.dma_semaphore, #tpu.memory_space<semaphore_mem>>)
      %dma_wait3A = arith.constant 20799488 : i32
      %dma_wait3A_14 = tpu.memref_slice %arg5[%dma_wait3A] : memref<20800000xf32, #tpu.memory_space<any>> -> memref<512xf32, #tpu.memory_space<any>>
      tpu.wait_dma2 semaphore(%arg7 : memref<!tpu.dma_semaphore, #tpu.memory_space<semaphore_mem>>) src(%arg3 : memref<512xf32, #tpu.memory_space<any>>) dst(%dma_wait3A_14 : memref<512xf32, #tpu.memory_space<any>>)
      %dma_wait3A_15 = arith.constant 2599936 : i32
      %dma_wait3A_16 = tpu.memref_slice %arg6[%dma_wait3A_15] : memref<2600064xf32, #tpu.memory_space<any>> -> memref<128xf32, #tpu.memory_space<any>>
      tpu.wait_dma2 semaphore(%arg7 : memref<!tpu.dma_semaphore, #tpu.memory_space<semaphore_mem>>) src(%arg4 : memref<128xf32, #tpu.memory_space<any>>) dst(%dma_wait3A_16 : memref<128xf32, #tpu.memory_space<any>>)
    } else {
    }
    return
  }
  func.func @transform_0(%arg0: i32) -> (i32, i32) {
    %c0_i32 = arith.constant 0 : i32
    %c0_i32_0 = arith.constant 0 : i32
    return %c0_i32, %arg0 : i32, i32
  }
  func.func @transform_1(%arg0: i32) -> (i32, i32) {
    %c0_i32 = arith.constant 0 : i32
    %c0_i32_0 = arith.constant 0 : i32
    return %c0_i32, %arg0 : i32, i32
  }
}

module attributes {stable_mosaic.version = 14 : i64} {
  func.func @body(%arg0: i32, %arg1: memref<8x262144xf32, #tpu.memory_space<vmem>>, %arg2: memref<512xf32, #tpu.memory_space<any>>, %arg3: memref<20800000xf32, #tpu.memory_space<any>>, %arg4: memref<!tpu.dma_semaphore, #tpu.memory_space<semaphore_mem>>) attributes {dimension_semantics = [#tpu.dimension_semantics<arbitrary>], iteration_bounds = array<i64: 10>, scalar_prefetch = 0 : i64, scratch_operands = 1 : i64, tpu.core_type = #tpu.core_type<tc>, window_params = [{transform_indices = @transform_0, window_bounds = array<i64: 8, 262144>}, {}, {}]} {
    %lt3A = arith.constant 9 : i32
    %lt3A_0 = arith.cmpi slt, %arg0, %lt3A : i32
    %convert_element_type3A = arith.extui %lt3A_0 : i1 to i32
    %cond3A = arith.constant 0 : i32
    %cond3A_1 = arith.cmpi ne, %convert_element_type3A, %cond3A : i32
    scf.if %cond3A_1 {
      %mul3A = arith.constant 262144 : i32
      %mul3A_11 = arith.muli %arg0, %mul3A : i32
      %add3A = arith.constant 0 : i32
      %add3A_12 = arith.addi %add3A, %mul3A_11 : i32
      %mul3A_13 = arith.constant 262144 : i32
      %mul3A_14 = arith.muli %arg0, %mul3A_13 : i32
      %add3A_15 = arith.constant 2599936 : i32
      %add3A_16 = arith.addi %add3A_15, %mul3A_14 : i32
      %mul3A_17 = arith.constant 262144 : i32
      %mul3A_18 = arith.muli %arg0, %mul3A_17 : i32
      %add3A_19 = arith.constant 5199872 : i32
      %add3A_20 = arith.addi %add3A_19, %mul3A_18 : i32
      %mul3A_21 = arith.constant 262144 : i32
      %mul3A_22 = arith.muli %arg0, %mul3A_21 : i32
      %add3A_23 = arith.constant 7799808 : i32
      %add3A_24 = arith.addi %add3A_23, %mul3A_22 : i32
      %mul3A_25 = arith.constant 262144 : i32
      %mul3A_26 = arith.muli %arg0, %mul3A_25 : i32
      %add3A_27 = arith.constant 10399744 : i32
      %add3A_28 = arith.addi %add3A_27, %mul3A_26 : i32
      %mul3A_29 = arith.constant 262144 : i32
      %mul3A_30 = arith.muli %arg0, %mul3A_29 : i32
      %add3A_31 = arith.constant 12999680 : i32
      %add3A_32 = arith.addi %add3A_31, %mul3A_30 : i32
      %mul3A_33 = arith.constant 262144 : i32
      %mul3A_34 = arith.muli %arg0, %mul3A_33 : i32
      %add3A_35 = arith.constant 15599616 : i32
      %add3A_36 = arith.addi %add3A_35, %mul3A_34 : i32
      %mul3A_37 = arith.constant 262144 : i32
      %mul3A_38 = arith.muli %arg0, %mul3A_37 : i32
      %add3A_39 = arith.constant 18199552 : i32
      %add3A_40 = arith.addi %add3A_39, %mul3A_38 : i32
      %dma_start3A = arith.constant 0 : i32
      %dma_start3A_41 = tpu.memref_slice %arg3[%add3A_12] : memref<20800000xf32, #tpu.memory_space<any>> -> memref<262144xf32, #tpu.memory_space<any>>
      %dma_start3A_42 = arith.constant 0 : i32
      %dma_start3A_43 = tpu.memref_slice %arg1[%dma_start3A, %dma_start3A_42] : memref<8x262144xf32, #tpu.memory_space<vmem>> -> memref<1x262144xf32, #tpu.memory_space<vmem>>
      %dma_start3A_44 = tpu.memref_squeeze %dma_start3A_43 : memref<1x262144xf32, #tpu.memory_space<vmem>> -> memref<262144xf32, #tpu.memory_space<vmem>>
      tpu.enqueue_dma source(%dma_start3A_44 : memref<262144xf32, #tpu.memory_space<vmem>>) target(%dma_start3A_41 : memref<262144xf32, #tpu.memory_space<any>>) target_semaphore(%arg4 : memref<!tpu.dma_semaphore, #tpu.memory_space<semaphore_mem>>)
      %dma_start3A_45 = arith.constant 1 : i32
      %dma_start3A_46 = tpu.memref_slice %arg3[%add3A_16] : memref<20800000xf32, #tpu.memory_space<any>> -> memref<262144xf32, #tpu.memory_space<any>>
      %dma_start3A_47 = arith.constant 0 : i32
      %dma_start3A_48 = tpu.memref_slice %arg1[%dma_start3A_45, %dma_start3A_47] : memref<8x262144xf32, #tpu.memory_space<vmem>> -> memref<1x262144xf32, #tpu.memory_space<vmem>>
      %dma_start3A_49 = tpu.memref_squeeze %dma_start3A_48 : memref<1x262144xf32, #tpu.memory_space<vmem>> -> memref<262144xf32, #tpu.memory_space<vmem>>
      tpu.enqueue_dma source(%dma_start3A_49 : memref<262144xf32, #tpu.memory_space<vmem>>) target(%dma_start3A_46 : memref<262144xf32, #tpu.memory_space<any>>) target_semaphore(%arg4 : memref<!tpu.dma_semaphore, #tpu.memory_space<semaphore_mem>>)
      %dma_start3A_50 = arith.constant 2 : i32
      %dma_start3A_51 = tpu.memref_slice %arg3[%add3A_20] : memref<20800000xf32, #tpu.memory_space<any>> -> memref<262144xf32, #tpu.memory_space<any>>
      %dma_start3A_52 = arith.constant 0 : i32
      %dma_start3A_53 = tpu.memref_slice %arg1[%dma_start3A_50, %dma_start3A_52] : memref<8x262144xf32, #tpu.memory_space<vmem>> -> memref<1x262144xf32, #tpu.memory_space<vmem>>
      %dma_start3A_54 = tpu.memref_squeeze %dma_start3A_53 : memref<1x262144xf32, #tpu.memory_space<vmem>> -> memref<262144xf32, #tpu.memory_space<vmem>>
      tpu.enqueue_dma source(%dma_start3A_54 : memref<262144xf32, #tpu.memory_space<vmem>>) target(%dma_start3A_51 : memref<262144xf32, #tpu.memory_space<any>>) target_semaphore(%arg4 : memref<!tpu.dma_semaphore, #tpu.memory_space<semaphore_mem>>)
      %dma_start3A_55 = arith.constant 3 : i32
      %dma_start3A_56 = tpu.memref_slice %arg3[%add3A_24] : memref<20800000xf32, #tpu.memory_space<any>> -> memref<262144xf32, #tpu.memory_space<any>>
      %dma_start3A_57 = arith.constant 0 : i32
      %dma_start3A_58 = tpu.memref_slice %arg1[%dma_start3A_55, %dma_start3A_57] : memref<8x262144xf32, #tpu.memory_space<vmem>> -> memref<1x262144xf32, #tpu.memory_space<vmem>>
      %dma_start3A_59 = tpu.memref_squeeze %dma_start3A_58 : memref<1x262144xf32, #tpu.memory_space<vmem>> -> memref<262144xf32, #tpu.memory_space<vmem>>
      tpu.enqueue_dma source(%dma_start3A_59 : memref<262144xf32, #tpu.memory_space<vmem>>) target(%dma_start3A_56 : memref<262144xf32, #tpu.memory_space<any>>) target_semaphore(%arg4 : memref<!tpu.dma_semaphore, #tpu.memory_space<semaphore_mem>>)
      %dma_start3A_60 = arith.constant 4 : i32
      %dma_start3A_61 = tpu.memref_slice %arg3[%add3A_28] : memref<20800000xf32, #tpu.memory_space<any>> -> memref<262144xf32, #tpu.memory_space<any>>
      %dma_start3A_62 = arith.constant 0 : i32
      %dma_start3A_63 = tpu.memref_slice %arg1[%dma_start3A_60, %dma_start3A_62] : memref<8x262144xf32, #tpu.memory_space<vmem>> -> memref<1x262144xf32, #tpu.memory_space<vmem>>
      %dma_start3A_64 = tpu.memref_squeeze %dma_start3A_63 : memref<1x262144xf32, #tpu.memory_space<vmem>> -> memref<262144xf32, #tpu.memory_space<vmem>>
      tpu.enqueue_dma source(%dma_start3A_64 : memref<262144xf32, #tpu.memory_space<vmem>>) target(%dma_start3A_61 : memref<262144xf32, #tpu.memory_space<any>>) target_semaphore(%arg4 : memref<!tpu.dma_semaphore, #tpu.memory_space<semaphore_mem>>)
      %dma_start3A_65 = arith.constant 5 : i32
      %dma_start3A_66 = tpu.memref_slice %arg3[%add3A_32] : memref<20800000xf32, #tpu.memory_space<any>> -> memref<262144xf32, #tpu.memory_space<any>>
      %dma_start3A_67 = arith.constant 0 : i32
      %dma_start3A_68 = tpu.memref_slice %arg1[%dma_start3A_65, %dma_start3A_67] : memref<8x262144xf32, #tpu.memory_space<vmem>> -> memref<1x262144xf32, #tpu.memory_space<vmem>>
      %dma_start3A_69 = tpu.memref_squeeze %dma_start3A_68 : memref<1x262144xf32, #tpu.memory_space<vmem>> -> memref<262144xf32, #tpu.memory_space<vmem>>
      tpu.enqueue_dma source(%dma_start3A_69 : memref<262144xf32, #tpu.memory_space<vmem>>) target(%dma_start3A_66 : memref<262144xf32, #tpu.memory_space<any>>) target_semaphore(%arg4 : memref<!tpu.dma_semaphore, #tpu.memory_space<semaphore_mem>>)
      %dma_start3A_70 = arith.constant 6 : i32
      %dma_start3A_71 = tpu.memref_slice %arg3[%add3A_36] : memref<20800000xf32, #tpu.memory_space<any>> -> memref<262144xf32, #tpu.memory_space<any>>
      %dma_start3A_72 = arith.constant 0 : i32
      %dma_start3A_73 = tpu.memref_slice %arg1[%dma_start3A_70, %dma_start3A_72] : memref<8x262144xf32, #tpu.memory_space<vmem>> -> memref<1x262144xf32, #tpu.memory_space<vmem>>
      %dma_start3A_74 = tpu.memref_squeeze %dma_start3A_73 : memref<1x262144xf32, #tpu.memory_space<vmem>> -> memref<262144xf32, #tpu.memory_space<vmem>>
      tpu.enqueue_dma source(%dma_start3A_74 : memref<262144xf32, #tpu.memory_space<vmem>>) target(%dma_start3A_71 : memref<262144xf32, #tpu.memory_space<any>>) target_semaphore(%arg4 : memref<!tpu.dma_semaphore, #tpu.memory_space<semaphore_mem>>)
      %dma_start3A_75 = arith.constant 7 : i32
      %dma_start3A_76 = tpu.memref_slice %arg3[%add3A_40] : memref<20800000xf32, #tpu.memory_space<any>> -> memref<262144xf32, #tpu.memory_space<any>>
      %dma_start3A_77 = arith.constant 0 : i32
      %dma_start3A_78 = tpu.memref_slice %arg1[%dma_start3A_75, %dma_start3A_77] : memref<8x262144xf32, #tpu.memory_space<vmem>> -> memref<1x262144xf32, #tpu.memory_space<vmem>>
      %dma_start3A_79 = tpu.memref_squeeze %dma_start3A_78 : memref<1x262144xf32, #tpu.memory_space<vmem>> -> memref<262144xf32, #tpu.memory_space<vmem>>
      tpu.enqueue_dma source(%dma_start3A_79 : memref<262144xf32, #tpu.memory_space<vmem>>) target(%dma_start3A_76 : memref<262144xf32, #tpu.memory_space<any>>) target_semaphore(%arg4 : memref<!tpu.dma_semaphore, #tpu.memory_space<semaphore_mem>>)
      %dma_wait3A = arith.constant 0 : i32
      %dma_wait3A_80 = tpu.memref_slice %arg3[%add3A_12] : memref<20800000xf32, #tpu.memory_space<any>> -> memref<262144xf32, #tpu.memory_space<any>>
      %dma_wait3A_81 = arith.constant 0 : i32
      %dma_wait3A_82 = tpu.memref_slice %arg1[%dma_wait3A, %dma_wait3A_81] : memref<8x262144xf32, #tpu.memory_space<vmem>> -> memref<1x262144xf32, #tpu.memory_space<vmem>>
      %dma_wait3A_83 = tpu.memref_squeeze %dma_wait3A_82 : memref<1x262144xf32, #tpu.memory_space<vmem>> -> memref<262144xf32, #tpu.memory_space<vmem>>
      tpu.wait_dma2 semaphore(%arg4 : memref<!tpu.dma_semaphore, #tpu.memory_space<semaphore_mem>>) src(%dma_wait3A_83 : memref<262144xf32, #tpu.memory_space<vmem>>) dst(%dma_wait3A_80 : memref<262144xf32, #tpu.memory_space<any>>)
      %dma_wait3A_84 = arith.constant 1 : i32
      %dma_wait3A_85 = tpu.memref_slice %arg3[%add3A_16] : memref<20800000xf32, #tpu.memory_space<any>> -> memref<262144xf32, #tpu.memory_space<any>>
      %dma_wait3A_86 = arith.constant 0 : i32
      %dma_wait3A_87 = tpu.memref_slice %arg1[%dma_wait3A_84, %dma_wait3A_86] : memref<8x262144xf32, #tpu.memory_space<vmem>> -> memref<1x262144xf32, #tpu.memory_space<vmem>>
      %dma_wait3A_88 = tpu.memref_squeeze %dma_wait3A_87 : memref<1x262144xf32, #tpu.memory_space<vmem>> -> memref<262144xf32, #tpu.memory_space<vmem>>
      tpu.wait_dma2 semaphore(%arg4 : memref<!tpu.dma_semaphore, #tpu.memory_space<semaphore_mem>>) src(%dma_wait3A_88 : memref<262144xf32, #tpu.memory_space<vmem>>) dst(%dma_wait3A_85 : memref<262144xf32, #tpu.memory_space<any>>)
      %dma_wait3A_89 = arith.constant 2 : i32
      %dma_wait3A_90 = tpu.memref_slice %arg3[%add3A_20] : memref<20800000xf32, #tpu.memory_space<any>> -> memref<262144xf32, #tpu.memory_space<any>>
      %dma_wait3A_91 = arith.constant 0 : i32
      %dma_wait3A_92 = tpu.memref_slice %arg1[%dma_wait3A_89, %dma_wait3A_91] : memref<8x262144xf32, #tpu.memory_space<vmem>> -> memref<1x262144xf32, #tpu.memory_space<vmem>>
      %dma_wait3A_93 = tpu.memref_squeeze %dma_wait3A_92 : memref<1x262144xf32, #tpu.memory_space<vmem>> -> memref<262144xf32, #tpu.memory_space<vmem>>
      tpu.wait_dma2 semaphore(%arg4 : memref<!tpu.dma_semaphore, #tpu.memory_space<semaphore_mem>>) src(%dma_wait3A_93 : memref<262144xf32, #tpu.memory_space<vmem>>) dst(%dma_wait3A_90 : memref<262144xf32, #tpu.memory_space<any>>)
      %dma_wait3A_94 = arith.constant 3 : i32
      %dma_wait3A_95 = tpu.memref_slice %arg3[%add3A_24] : memref<20800000xf32, #tpu.memory_space<any>> -> memref<262144xf32, #tpu.memory_space<any>>
      %dma_wait3A_96 = arith.constant 0 : i32
      %dma_wait3A_97 = tpu.memref_slice %arg1[%dma_wait3A_94, %dma_wait3A_96] : memref<8x262144xf32, #tpu.memory_space<vmem>> -> memref<1x262144xf32, #tpu.memory_space<vmem>>
      %dma_wait3A_98 = tpu.memref_squeeze %dma_wait3A_97 : memref<1x262144xf32, #tpu.memory_space<vmem>> -> memref<262144xf32, #tpu.memory_space<vmem>>
      tpu.wait_dma2 semaphore(%arg4 : memref<!tpu.dma_semaphore, #tpu.memory_space<semaphore_mem>>) src(%dma_wait3A_98 : memref<262144xf32, #tpu.memory_space<vmem>>) dst(%dma_wait3A_95 : memref<262144xf32, #tpu.memory_space<any>>)
      %dma_wait3A_99 = arith.constant 4 : i32
      %dma_wait3A_100 = tpu.memref_slice %arg3[%add3A_28] : memref<20800000xf32, #tpu.memory_space<any>> -> memref<262144xf32, #tpu.memory_space<any>>
      %dma_wait3A_101 = arith.constant 0 : i32
      %dma_wait3A_102 = tpu.memref_slice %arg1[%dma_wait3A_99, %dma_wait3A_101] : memref<8x262144xf32, #tpu.memory_space<vmem>> -> memref<1x262144xf32, #tpu.memory_space<vmem>>
      %dma_wait3A_103 = tpu.memref_squeeze %dma_wait3A_102 : memref<1x262144xf32, #tpu.memory_space<vmem>> -> memref<262144xf32, #tpu.memory_space<vmem>>
      tpu.wait_dma2 semaphore(%arg4 : memref<!tpu.dma_semaphore, #tpu.memory_space<semaphore_mem>>) src(%dma_wait3A_103 : memref<262144xf32, #tpu.memory_space<vmem>>) dst(%dma_wait3A_100 : memref<262144xf32, #tpu.memory_space<any>>)
      %dma_wait3A_104 = arith.constant 5 : i32
      %dma_wait3A_105 = tpu.memref_slice %arg3[%add3A_32] : memref<20800000xf32, #tpu.memory_space<any>> -> memref<262144xf32, #tpu.memory_space<any>>
      %dma_wait3A_106 = arith.constant 0 : i32
      %dma_wait3A_107 = tpu.memref_slice %arg1[%dma_wait3A_104, %dma_wait3A_106] : memref<8x262144xf32, #tpu.memory_space<vmem>> -> memref<1x262144xf32, #tpu.memory_space<vmem>>
      %dma_wait3A_108 = tpu.memref_squeeze %dma_wait3A_107 : memref<1x262144xf32, #tpu.memory_space<vmem>> -> memref<262144xf32, #tpu.memory_space<vmem>>
      tpu.wait_dma2 semaphore(%arg4 : memref<!tpu.dma_semaphore, #tpu.memory_space<semaphore_mem>>) src(%dma_wait3A_108 : memref<262144xf32, #tpu.memory_space<vmem>>) dst(%dma_wait3A_105 : memref<262144xf32, #tpu.memory_space<any>>)
      %dma_wait3A_109 = arith.constant 6 : i32
      %dma_wait3A_110 = tpu.memref_slice %arg3[%add3A_36] : memref<20800000xf32, #tpu.memory_space<any>> -> memref<262144xf32, #tpu.memory_space<any>>
      %dma_wait3A_111 = arith.constant 0 : i32
      %dma_wait3A_112 = tpu.memref_slice %arg1[%dma_wait3A_109, %dma_wait3A_111] : memref<8x262144xf32, #tpu.memory_space<vmem>> -> memref<1x262144xf32, #tpu.memory_space<vmem>>
      %dma_wait3A_113 = tpu.memref_squeeze %dma_wait3A_112 : memref<1x262144xf32, #tpu.memory_space<vmem>> -> memref<262144xf32, #tpu.memory_space<vmem>>
      tpu.wait_dma2 semaphore(%arg4 : memref<!tpu.dma_semaphore, #tpu.memory_space<semaphore_mem>>) src(%dma_wait3A_113 : memref<262144xf32, #tpu.memory_space<vmem>>) dst(%dma_wait3A_110 : memref<262144xf32, #tpu.memory_space<any>>)
      %dma_wait3A_114 = arith.constant 7 : i32
      %dma_wait3A_115 = tpu.memref_slice %arg3[%add3A_40] : memref<20800000xf32, #tpu.memory_space<any>> -> memref<262144xf32, #tpu.memory_space<any>>
      %dma_wait3A_116 = arith.constant 0 : i32
      %dma_wait3A_117 = tpu.memref_slice %arg1[%dma_wait3A_114, %dma_wait3A_116] : memref<8x262144xf32, #tpu.memory_space<vmem>> -> memref<1x262144xf32, #tpu.memory_space<vmem>>
      %dma_wait3A_118 = tpu.memref_squeeze %dma_wait3A_117 : memref<1x262144xf32, #tpu.memory_space<vmem>> -> memref<262144xf32, #tpu.memory_space<vmem>>
      tpu.wait_dma2 semaphore(%arg4 : memref<!tpu.dma_semaphore, #tpu.memory_space<semaphore_mem>>) src(%dma_wait3A_118 : memref<262144xf32, #tpu.memory_space<vmem>>) dst(%dma_wait3A_115 : memref<262144xf32, #tpu.memory_space<any>>)
    } else {
    }
    %eq3A = arith.constant 9 : i32
    %eq3A_2 = arith.cmpi eq, %arg0, %eq3A : i32
    %convert_element_type3A_3 = arith.extui %eq3A_2 : i1 to i32
    %cond3A_4 = arith.constant 0 : i32
    %cond3A_5 = arith.cmpi ne, %convert_element_type3A_3, %cond3A_4 : i32
    scf.if %cond3A_5 {
      %mul3A = arith.constant 262144 : i32
      %mul3A_11 = arith.muli %arg0, %mul3A : i32
      %add3A = arith.constant 0 : i32
      %add3A_12 = arith.addi %add3A, %mul3A_11 : i32
      %mul3A_13 = arith.constant 262144 : i32
      %mul3A_14 = arith.muli %arg0, %mul3A_13 : i32
      %add3A_15 = arith.constant 2599936 : i32
      %add3A_16 = arith.addi %add3A_15, %mul3A_14 : i32
      %mul3A_17 = arith.constant 262144 : i32
      %mul3A_18 = arith.muli %arg0, %mul3A_17 : i32
      %add3A_19 = arith.constant 5199872 : i32
      %add3A_20 = arith.addi %add3A_19, %mul3A_18 : i32
      %mul3A_21 = arith.constant 262144 : i32
      %mul3A_22 = arith.muli %arg0, %mul3A_21 : i32
      %add3A_23 = arith.constant 7799808 : i32
      %add3A_24 = arith.addi %add3A_23, %mul3A_22 : i32
      %mul3A_25 = arith.constant 262144 : i32
      %mul3A_26 = arith.muli %arg0, %mul3A_25 : i32
      %add3A_27 = arith.constant 10399744 : i32
      %add3A_28 = arith.addi %add3A_27, %mul3A_26 : i32
      %mul3A_29 = arith.constant 262144 : i32
      %mul3A_30 = arith.muli %arg0, %mul3A_29 : i32
      %add3A_31 = arith.constant 12999680 : i32
      %add3A_32 = arith.addi %add3A_31, %mul3A_30 : i32
      %mul3A_33 = arith.constant 262144 : i32
      %mul3A_34 = arith.muli %arg0, %mul3A_33 : i32
      %add3A_35 = arith.constant 15599616 : i32
      %add3A_36 = arith.addi %add3A_35, %mul3A_34 : i32
      %mul3A_37 = arith.constant 262144 : i32
      %mul3A_38 = arith.muli %arg0, %mul3A_37 : i32
      %add3A_39 = arith.constant 18199552 : i32
      %add3A_40 = arith.addi %add3A_39, %mul3A_38 : i32
      %dma_start3A = arith.constant 0 : i32
      %dma_start3A_41 = tpu.memref_slice %arg3[%add3A_12] : memref<20800000xf32, #tpu.memory_space<any>> -> memref<240640xf32, #tpu.memory_space<any>>
      %dma_start3A_42 = arith.constant 0 : i32
      %dma_start3A_43 = tpu.memref_slice %arg1[%dma_start3A, %dma_start3A_42] : memref<8x262144xf32, #tpu.memory_space<vmem>> -> memref<1x240640xf32, #tpu.memory_space<vmem>>
      %dma_start3A_44 = tpu.memref_squeeze %dma_start3A_43 : memref<1x240640xf32, #tpu.memory_space<vmem>> -> memref<240640xf32, #tpu.memory_space<vmem>>
      tpu.enqueue_dma source(%dma_start3A_44 : memref<240640xf32, #tpu.memory_space<vmem>>) target(%dma_start3A_41 : memref<240640xf32, #tpu.memory_space<any>>) target_semaphore(%arg4 : memref<!tpu.dma_semaphore, #tpu.memory_space<semaphore_mem>>)
      %dma_start3A_45 = arith.constant 1 : i32
      %dma_start3A_46 = tpu.memref_slice %arg3[%add3A_16] : memref<20800000xf32, #tpu.memory_space<any>> -> memref<240640xf32, #tpu.memory_space<any>>
      %dma_start3A_47 = arith.constant 0 : i32
      %dma_start3A_48 = tpu.memref_slice %arg1[%dma_start3A_45, %dma_start3A_47] : memref<8x262144xf32, #tpu.memory_space<vmem>> -> memref<1x240640xf32, #tpu.memory_space<vmem>>
      %dma_start3A_49 = tpu.memref_squeeze %dma_start3A_48 : memref<1x240640xf32, #tpu.memory_space<vmem>> -> memref<240640xf32, #tpu.memory_space<vmem>>
      tpu.enqueue_dma source(%dma_start3A_49 : memref<240640xf32, #tpu.memory_space<vmem>>) target(%dma_start3A_46 : memref<240640xf32, #tpu.memory_space<any>>) target_semaphore(%arg4 : memref<!tpu.dma_semaphore, #tpu.memory_space<semaphore_mem>>)
      %dma_start3A_50 = arith.constant 2 : i32
      %dma_start3A_51 = tpu.memref_slice %arg3[%add3A_20] : memref<20800000xf32, #tpu.memory_space<any>> -> memref<240640xf32, #tpu.memory_space<any>>
      %dma_start3A_52 = arith.constant 0 : i32
      %dma_start3A_53 = tpu.memref_slice %arg1[%dma_start3A_50, %dma_start3A_52] : memref<8x262144xf32, #tpu.memory_space<vmem>> -> memref<1x240640xf32, #tpu.memory_space<vmem>>
      %dma_start3A_54 = tpu.memref_squeeze %dma_start3A_53 : memref<1x240640xf32, #tpu.memory_space<vmem>> -> memref<240640xf32, #tpu.memory_space<vmem>>
      tpu.enqueue_dma source(%dma_start3A_54 : memref<240640xf32, #tpu.memory_space<vmem>>) target(%dma_start3A_51 : memref<240640xf32, #tpu.memory_space<any>>) target_semaphore(%arg4 : memref<!tpu.dma_semaphore, #tpu.memory_space<semaphore_mem>>)
      %dma_start3A_55 = arith.constant 3 : i32
      %dma_start3A_56 = tpu.memref_slice %arg3[%add3A_24] : memref<20800000xf32, #tpu.memory_space<any>> -> memref<240640xf32, #tpu.memory_space<any>>
      %dma_start3A_57 = arith.constant 0 : i32
      %dma_start3A_58 = tpu.memref_slice %arg1[%dma_start3A_55, %dma_start3A_57] : memref<8x262144xf32, #tpu.memory_space<vmem>> -> memref<1x240640xf32, #tpu.memory_space<vmem>>
      %dma_start3A_59 = tpu.memref_squeeze %dma_start3A_58 : memref<1x240640xf32, #tpu.memory_space<vmem>> -> memref<240640xf32, #tpu.memory_space<vmem>>
      tpu.enqueue_dma source(%dma_start3A_59 : memref<240640xf32, #tpu.memory_space<vmem>>) target(%dma_start3A_56 : memref<240640xf32, #tpu.memory_space<any>>) target_semaphore(%arg4 : memref<!tpu.dma_semaphore, #tpu.memory_space<semaphore_mem>>)
      %dma_start3A_60 = arith.constant 4 : i32
      %dma_start3A_61 = tpu.memref_slice %arg3[%add3A_28] : memref<20800000xf32, #tpu.memory_space<any>> -> memref<240640xf32, #tpu.memory_space<any>>
      %dma_start3A_62 = arith.constant 0 : i32
      %dma_start3A_63 = tpu.memref_slice %arg1[%dma_start3A_60, %dma_start3A_62] : memref<8x262144xf32, #tpu.memory_space<vmem>> -> memref<1x240640xf32, #tpu.memory_space<vmem>>
      %dma_start3A_64 = tpu.memref_squeeze %dma_start3A_63 : memref<1x240640xf32, #tpu.memory_space<vmem>> -> memref<240640xf32, #tpu.memory_space<vmem>>
      tpu.enqueue_dma source(%dma_start3A_64 : memref<240640xf32, #tpu.memory_space<vmem>>) target(%dma_start3A_61 : memref<240640xf32, #tpu.memory_space<any>>) target_semaphore(%arg4 : memref<!tpu.dma_semaphore, #tpu.memory_space<semaphore_mem>>)
      %dma_start3A_65 = arith.constant 5 : i32
      %dma_start3A_66 = tpu.memref_slice %arg3[%add3A_32] : memref<20800000xf32, #tpu.memory_space<any>> -> memref<240640xf32, #tpu.memory_space<any>>
      %dma_start3A_67 = arith.constant 0 : i32
      %dma_start3A_68 = tpu.memref_slice %arg1[%dma_start3A_65, %dma_start3A_67] : memref<8x262144xf32, #tpu.memory_space<vmem>> -> memref<1x240640xf32, #tpu.memory_space<vmem>>
      %dma_start3A_69 = tpu.memref_squeeze %dma_start3A_68 : memref<1x240640xf32, #tpu.memory_space<vmem>> -> memref<240640xf32, #tpu.memory_space<vmem>>
      tpu.enqueue_dma source(%dma_start3A_69 : memref<240640xf32, #tpu.memory_space<vmem>>) target(%dma_start3A_66 : memref<240640xf32, #tpu.memory_space<any>>) target_semaphore(%arg4 : memref<!tpu.dma_semaphore, #tpu.memory_space<semaphore_mem>>)
      %dma_start3A_70 = arith.constant 6 : i32
      %dma_start3A_71 = tpu.memref_slice %arg3[%add3A_36] : memref<20800000xf32, #tpu.memory_space<any>> -> memref<240640xf32, #tpu.memory_space<any>>
      %dma_start3A_72 = arith.constant 0 : i32
      %dma_start3A_73 = tpu.memref_slice %arg1[%dma_start3A_70, %dma_start3A_72] : memref<8x262144xf32, #tpu.memory_space<vmem>> -> memref<1x240640xf32, #tpu.memory_space<vmem>>
      %dma_start3A_74 = tpu.memref_squeeze %dma_start3A_73 : memref<1x240640xf32, #tpu.memory_space<vmem>> -> memref<240640xf32, #tpu.memory_space<vmem>>
      tpu.enqueue_dma source(%dma_start3A_74 : memref<240640xf32, #tpu.memory_space<vmem>>) target(%dma_start3A_71 : memref<240640xf32, #tpu.memory_space<any>>) target_semaphore(%arg4 : memref<!tpu.dma_semaphore, #tpu.memory_space<semaphore_mem>>)
      %dma_start3A_75 = arith.constant 7 : i32
      %dma_start3A_76 = tpu.memref_slice %arg3[%add3A_40] : memref<20800000xf32, #tpu.memory_space<any>> -> memref<240640xf32, #tpu.memory_space<any>>
      %dma_start3A_77 = arith.constant 0 : i32
      %dma_start3A_78 = tpu.memref_slice %arg1[%dma_start3A_75, %dma_start3A_77] : memref<8x262144xf32, #tpu.memory_space<vmem>> -> memref<1x240640xf32, #tpu.memory_space<vmem>>
      %dma_start3A_79 = tpu.memref_squeeze %dma_start3A_78 : memref<1x240640xf32, #tpu.memory_space<vmem>> -> memref<240640xf32, #tpu.memory_space<vmem>>
      tpu.enqueue_dma source(%dma_start3A_79 : memref<240640xf32, #tpu.memory_space<vmem>>) target(%dma_start3A_76 : memref<240640xf32, #tpu.memory_space<any>>) target_semaphore(%arg4 : memref<!tpu.dma_semaphore, #tpu.memory_space<semaphore_mem>>)
      %dma_wait3A = arith.constant 0 : i32
      %dma_wait3A_80 = tpu.memref_slice %arg3[%add3A_12] : memref<20800000xf32, #tpu.memory_space<any>> -> memref<240640xf32, #tpu.memory_space<any>>
      %dma_wait3A_81 = arith.constant 0 : i32
      %dma_wait3A_82 = tpu.memref_slice %arg1[%dma_wait3A, %dma_wait3A_81] : memref<8x262144xf32, #tpu.memory_space<vmem>> -> memref<1x240640xf32, #tpu.memory_space<vmem>>
      %dma_wait3A_83 = tpu.memref_squeeze %dma_wait3A_82 : memref<1x240640xf32, #tpu.memory_space<vmem>> -> memref<240640xf32, #tpu.memory_space<vmem>>
      tpu.wait_dma2 semaphore(%arg4 : memref<!tpu.dma_semaphore, #tpu.memory_space<semaphore_mem>>) src(%dma_wait3A_83 : memref<240640xf32, #tpu.memory_space<vmem>>) dst(%dma_wait3A_80 : memref<240640xf32, #tpu.memory_space<any>>)
      %dma_wait3A_84 = arith.constant 1 : i32
      %dma_wait3A_85 = tpu.memref_slice %arg3[%add3A_16] : memref<20800000xf32, #tpu.memory_space<any>> -> memref<240640xf32, #tpu.memory_space<any>>
      %dma_wait3A_86 = arith.constant 0 : i32
      %dma_wait3A_87 = tpu.memref_slice %arg1[%dma_wait3A_84, %dma_wait3A_86] : memref<8x262144xf32, #tpu.memory_space<vmem>> -> memref<1x240640xf32, #tpu.memory_space<vmem>>
      %dma_wait3A_88 = tpu.memref_squeeze %dma_wait3A_87 : memref<1x240640xf32, #tpu.memory_space<vmem>> -> memref<240640xf32, #tpu.memory_space<vmem>>
      tpu.wait_dma2 semaphore(%arg4 : memref<!tpu.dma_semaphore, #tpu.memory_space<semaphore_mem>>) src(%dma_wait3A_88 : memref<240640xf32, #tpu.memory_space<vmem>>) dst(%dma_wait3A_85 : memref<240640xf32, #tpu.memory_space<any>>)
      %dma_wait3A_89 = arith.constant 2 : i32
      %dma_wait3A_90 = tpu.memref_slice %arg3[%add3A_20] : memref<20800000xf32, #tpu.memory_space<any>> -> memref<240640xf32, #tpu.memory_space<any>>
      %dma_wait3A_91 = arith.constant 0 : i32
      %dma_wait3A_92 = tpu.memref_slice %arg1[%dma_wait3A_89, %dma_wait3A_91] : memref<8x262144xf32, #tpu.memory_space<vmem>> -> memref<1x240640xf32, #tpu.memory_space<vmem>>
      %dma_wait3A_93 = tpu.memref_squeeze %dma_wait3A_92 : memref<1x240640xf32, #tpu.memory_space<vmem>> -> memref<240640xf32, #tpu.memory_space<vmem>>
      tpu.wait_dma2 semaphore(%arg4 : memref<!tpu.dma_semaphore, #tpu.memory_space<semaphore_mem>>) src(%dma_wait3A_93 : memref<240640xf32, #tpu.memory_space<vmem>>) dst(%dma_wait3A_90 : memref<240640xf32, #tpu.memory_space<any>>)
      %dma_wait3A_94 = arith.constant 3 : i32
      %dma_wait3A_95 = tpu.memref_slice %arg3[%add3A_24] : memref<20800000xf32, #tpu.memory_space<any>> -> memref<240640xf32, #tpu.memory_space<any>>
      %dma_wait3A_96 = arith.constant 0 : i32
      %dma_wait3A_97 = tpu.memref_slice %arg1[%dma_wait3A_94, %dma_wait3A_96] : memref<8x262144xf32, #tpu.memory_space<vmem>> -> memref<1x240640xf32, #tpu.memory_space<vmem>>
      %dma_wait3A_98 = tpu.memref_squeeze %dma_wait3A_97 : memref<1x240640xf32, #tpu.memory_space<vmem>> -> memref<240640xf32, #tpu.memory_space<vmem>>
      tpu.wait_dma2 semaphore(%arg4 : memref<!tpu.dma_semaphore, #tpu.memory_space<semaphore_mem>>) src(%dma_wait3A_98 : memref<240640xf32, #tpu.memory_space<vmem>>) dst(%dma_wait3A_95 : memref<240640xf32, #tpu.memory_space<any>>)
      %dma_wait3A_99 = arith.constant 4 : i32
      %dma_wait3A_100 = tpu.memref_slice %arg3[%add3A_28] : memref<20800000xf32, #tpu.memory_space<any>> -> memref<240640xf32, #tpu.memory_space<any>>
      %dma_wait3A_101 = arith.constant 0 : i32
      %dma_wait3A_102 = tpu.memref_slice %arg1[%dma_wait3A_99, %dma_wait3A_101] : memref<8x262144xf32, #tpu.memory_space<vmem>> -> memref<1x240640xf32, #tpu.memory_space<vmem>>
      %dma_wait3A_103 = tpu.memref_squeeze %dma_wait3A_102 : memref<1x240640xf32, #tpu.memory_space<vmem>> -> memref<240640xf32, #tpu.memory_space<vmem>>
      tpu.wait_dma2 semaphore(%arg4 : memref<!tpu.dma_semaphore, #tpu.memory_space<semaphore_mem>>) src(%dma_wait3A_103 : memref<240640xf32, #tpu.memory_space<vmem>>) dst(%dma_wait3A_100 : memref<240640xf32, #tpu.memory_space<any>>)
      %dma_wait3A_104 = arith.constant 5 : i32
      %dma_wait3A_105 = tpu.memref_slice %arg3[%add3A_32] : memref<20800000xf32, #tpu.memory_space<any>> -> memref<240640xf32, #tpu.memory_space<any>>
      %dma_wait3A_106 = arith.constant 0 : i32
      %dma_wait3A_107 = tpu.memref_slice %arg1[%dma_wait3A_104, %dma_wait3A_106] : memref<8x262144xf32, #tpu.memory_space<vmem>> -> memref<1x240640xf32, #tpu.memory_space<vmem>>
      %dma_wait3A_108 = tpu.memref_squeeze %dma_wait3A_107 : memref<1x240640xf32, #tpu.memory_space<vmem>> -> memref<240640xf32, #tpu.memory_space<vmem>>
      tpu.wait_dma2 semaphore(%arg4 : memref<!tpu.dma_semaphore, #tpu.memory_space<semaphore_mem>>) src(%dma_wait3A_108 : memref<240640xf32, #tpu.memory_space<vmem>>) dst(%dma_wait3A_105 : memref<240640xf32, #tpu.memory_space<any>>)
      %dma_wait3A_109 = arith.constant 6 : i32
      %dma_wait3A_110 = tpu.memref_slice %arg3[%add3A_36] : memref<20800000xf32, #tpu.memory_space<any>> -> memref<240640xf32, #tpu.memory_space<any>>
      %dma_wait3A_111 = arith.constant 0 : i32
      %dma_wait3A_112 = tpu.memref_slice %arg1[%dma_wait3A_109, %dma_wait3A_111] : memref<8x262144xf32, #tpu.memory_space<vmem>> -> memref<1x240640xf32, #tpu.memory_space<vmem>>
      %dma_wait3A_113 = tpu.memref_squeeze %dma_wait3A_112 : memref<1x240640xf32, #tpu.memory_space<vmem>> -> memref<240640xf32, #tpu.memory_space<vmem>>
      tpu.wait_dma2 semaphore(%arg4 : memref<!tpu.dma_semaphore, #tpu.memory_space<semaphore_mem>>) src(%dma_wait3A_113 : memref<240640xf32, #tpu.memory_space<vmem>>) dst(%dma_wait3A_110 : memref<240640xf32, #tpu.memory_space<any>>)
      %dma_wait3A_114 = arith.constant 7 : i32
      %dma_wait3A_115 = tpu.memref_slice %arg3[%add3A_40] : memref<20800000xf32, #tpu.memory_space<any>> -> memref<240640xf32, #tpu.memory_space<any>>
      %dma_wait3A_116 = arith.constant 0 : i32
      %dma_wait3A_117 = tpu.memref_slice %arg1[%dma_wait3A_114, %dma_wait3A_116] : memref<8x262144xf32, #tpu.memory_space<vmem>> -> memref<1x240640xf32, #tpu.memory_space<vmem>>
      %dma_wait3A_118 = tpu.memref_squeeze %dma_wait3A_117 : memref<1x240640xf32, #tpu.memory_space<vmem>> -> memref<240640xf32, #tpu.memory_space<vmem>>
      tpu.wait_dma2 semaphore(%arg4 : memref<!tpu.dma_semaphore, #tpu.memory_space<semaphore_mem>>) src(%dma_wait3A_118 : memref<240640xf32, #tpu.memory_space<vmem>>) dst(%dma_wait3A_115 : memref<240640xf32, #tpu.memory_space<any>>)
    } else {
    }
    %eq3A_6 = arith.constant 0 : i32
    %eq3A_7 = arith.cmpi eq, %arg0, %eq3A_6 : i32
    %convert_element_type3A_8 = arith.extui %eq3A_7 : i1 to i32
    %cond3A_9 = arith.constant 0 : i32
    %cond3A_10 = arith.cmpi ne, %convert_element_type3A_8, %cond3A_9 : i32
    scf.if %cond3A_10 {
      %dma_start3A = arith.constant 20799488 : i32
      %dma_start3A_11 = tpu.memref_slice %arg3[%dma_start3A] : memref<20800000xf32, #tpu.memory_space<any>> -> memref<512xf32, #tpu.memory_space<any>>
      tpu.enqueue_dma source(%arg2 : memref<512xf32, #tpu.memory_space<any>>) target(%dma_start3A_11 : memref<512xf32, #tpu.memory_space<any>>) target_semaphore(%arg4 : memref<!tpu.dma_semaphore, #tpu.memory_space<semaphore_mem>>)
      %dma_wait3A = arith.constant 20799488 : i32
      %dma_wait3A_12 = tpu.memref_slice %arg3[%dma_wait3A] : memref<20800000xf32, #tpu.memory_space<any>> -> memref<512xf32, #tpu.memory_space<any>>
      tpu.wait_dma2 semaphore(%arg4 : memref<!tpu.dma_semaphore, #tpu.memory_space<semaphore_mem>>) src(%arg2 : memref<512xf32, #tpu.memory_space<any>>) dst(%dma_wait3A_12 : memref<512xf32, #tpu.memory_space<any>>)
    } else {
    }
    return
  }
  func.func @transform_0(%arg0: i32) -> (i32, i32) {
    %c1_i32 = arith.constant 1 : i32
    %c0_i32 = arith.constant 0 : i32
    return %c1_i32, %arg0 : i32, i32
  }
}

module attributes {stable_mosaic.version = 14 : i64} {
  func.func @_tc_body(%arg0: i32, %arg1: memref<208x16x128xf32, #tpu.memory_space<vmem>>, %arg2: memref<208x16x128xf32, #tpu.memory_space<vmem>>, %arg3: memref<26x2048xf32, #tpu.memory_space<vmem>>, %arg4: memref<416x128xf32, #tpu.memory_space<vmem>>, %arg5: memref<1x128xf32, #tpu.memory_space<vmem>>, %arg6: memref<1x128xf32, #tpu.memory_space<vmem>>, %arg7: memref<1x128xf32, #tpu.memory_space<vmem>>, %arg8: memref<128x128xf32, #tpu.memory_space<vmem>>, %arg9: memref<1x128xf32, #tpu.memory_space<vmem>>, %arg10: memref<1x128xf32, #tpu.memory_space<vmem>>, %arg11: memref<1x128xf32, #tpu.memory_space<vmem>>, %arg12: memref<128x1xf32, #tpu.memory_space<vmem>>, %arg13: memref<1xf32, #tpu.memory_space<smem>>, %arg14: memref<416x16xf32, #tpu.memory_space<vmem>>, %arg15: memref<16384xf32, #tpu.memory_space<vmem>>, %arg16: memref<16384x128xf32, #tpu.memory_space<vmem>>, %arg17: memref<16384xf32, #tpu.memory_space<vmem>>) attributes {dimension_semantics = [#tpu.dimension_semantics<arbitrary>], iteration_bounds = array<i64: 8>, scalar_prefetch = 0 : i64, scratch_operands = 2 : i64, tpu.core_type = #tpu.core_type<tc>, window_params = [{transform_indices = @transform_0, window_bounds = array<i64: 208, 16, 128>}, {transform_indices = @transform_1, window_bounds = array<i64: 208, 16, 128>}, {transform_indices = @transform_2, window_bounds = array<i64: 26, 2048>}, {pipeline_mode = #tpu.pipeline_mode<synchronous>, transform_indices = @transform_3, window_bounds = array<i64: 416, 128>}, {pipeline_mode = #tpu.pipeline_mode<synchronous>, transform_indices = @transform_4, window_bounds = array<i64: 1, 128>}, {pipeline_mode = #tpu.pipeline_mode<synchronous>, transform_indices = @transform_5, window_bounds = array<i64: 1, 128>}, {pipeline_mode = #tpu.pipeline_mode<synchronous>, transform_indices = @transform_6, window_bounds = array<i64: 1, 128>}, {pipeline_mode = #tpu.pipeline_mode<synchronous>, transform_indices = @transform_7, window_bounds = array<i64: 128, 128>}, {pipeline_mode = #tpu.pipeline_mode<synchronous>, transform_indices = @transform_8, window_bounds = array<i64: 1, 128>}, {pipeline_mode = #tpu.pipeline_mode<synchronous>, transform_indices = @transform_9, window_bounds = array<i64: 1, 128>}, {pipeline_mode = #tpu.pipeline_mode<synchronous>, transform_indices = @transform_10, window_bounds = array<i64: 1, 128>}, {pipeline_mode = #tpu.pipeline_mode<synchronous>, transform_indices = @transform_11, window_bounds = array<i64: 128, 1>}, {transform_indices = @transform_12, window_bounds = array<i64: 1>}, {pipeline_mode = #tpu.pipeline_mode<synchronous>, transform_indices = @transform_13, window_bounds = array<i64: 416, 16>}, {pipeline_mode = #tpu.pipeline_mode<synchronous>, transform_indices = @transform_14, window_bounds = array<i64: 16384>}]} {
    %get3A = arith.constant 0 : index
    %get3A_0 = arith.constant 0 : index
    %get3A_1 = arith.constant 0 : index
    %get3A_2 = vector.load %arg1[%get3A, %get3A_0, %get3A_1] : memref<208x16x128xf32, #tpu.memory_space<vmem>>, vector<208x16x128xf32>
    %reshape3A = vector.shape_cast %get3A_2 : vector<208x16x128xf32> to vector<208x2048xf32>
    %get3A_3 = arith.constant 0 : index
    %get3A_4 = arith.constant 0 : index
    %get3A_5 = arith.constant 0 : index
    %get3A_6 = vector.load %arg2[%get3A_3, %get3A_4, %get3A_5] : memref<208x16x128xf32, #tpu.memory_space<vmem>>, vector<208x16x128xf32>
    %reshape3A_7 = vector.shape_cast %get3A_6 : vector<208x16x128xf32> to vector<208x2048xf32>
    %get3A_8 = arith.constant 0 : index
    %get3A_9 = arith.constant 0 : index
    %get3A_10 = vector.load %arg4[%get3A_8, %get3A_9] : memref<416x128xf32, #tpu.memory_space<vmem>>, vector<208x128xf32>
    %dot_general3A = arith.constant dense<0.000000e+00> : vector<2048x128xf32>
    %dot_general3A_11 = tpu.matmul %reshape3A, %get3A_10, %dot_general3A {dimension_numbers = #tpu.dot_dimension_numbers<[0], [0], [1], [1], [0, 1, 1, 1], [], []>, transpose_lhs_hint = false} : vector<208x2048xf32>, vector<208x128xf32>, vector<2048x128xf32> -> vector<2048x128xf32>
    %get3A_12 = arith.constant 208 : index
    %get3A_13 = arith.constant 0 : index
    %get3A_14 = vector.load %arg4[%get3A_12, %get3A_13] : memref<416x128xf32, #tpu.memory_space<vmem>>, vector<208x128xf32>
    %dot_general3A_15 = arith.constant dense<0.000000e+00> : vector<2048x128xf32>
    %dot_general3A_16 = tpu.matmul %reshape3A_7, %get3A_14, %dot_general3A_15 {dimension_numbers = #tpu.dot_dimension_numbers<[0], [0], [1], [1], [0, 1, 1, 1], [], []>, transpose_lhs_hint = false} : vector<208x2048xf32>, vector<208x128xf32>, vector<2048x128xf32> -> vector<2048x128xf32>
    %add3A = arith.addf %dot_general3A_11, %dot_general3A_16 : vector<2048x128xf32>
    %get3A_17 = arith.constant 0 : index
    %get3A_18 = arith.constant 0 : index
    %get3A_19 = vector.load %arg5[%get3A_17, %get3A_18] : memref<1x128xf32, #tpu.memory_space<vmem>>, vector<1x128xf32>
    %add3A_20 = vector.broadcast %get3A_19 : vector<1x128xf32> to vector<2048x128xf32>
    %add3A_21 = arith.addf %add3A, %add3A_20 : vector<2048x128xf32>
    %mul3A = arith.constant 2048 : i32
    %mul3A_22 = arith.muli %arg0, %mul3A : i32
    %swap3A = arith.index_cast %mul3A_22 : i32 to index
    %swap3A_23 = arith.constant 0 : index
    %swap3A_24 = vector.load %arg16[%swap3A, %swap3A_23] : memref<16384x128xf32, #tpu.memory_space<vmem>>, vector<2048x128xf32>
    tpu.vector_store %arg16[%swap3A, %swap3A_23], %add3A_21 {strides = array<i32>} : memref<16384x128xf32, #tpu.memory_space<vmem>>, vector<2048x128xf32>,
    %get3A_25 = arith.constant 0 : index
    %get3A_26 = arith.constant 0 : index
    %get3A_27 = vector.load %arg14[%get3A_25, %get3A_26] : memref<416x16xf32, #tpu.memory_space<vmem>>, vector<208x16xf32>
    %dot_general3A_28 = arith.constant dense<0.000000e+00> : vector<2048x16xf32>
    %dot_general3A_29 = tpu.matmul %reshape3A, %get3A_27, %dot_general3A_28 {dimension_numbers = #tpu.dot_dimension_numbers<[0], [0], [1], [1], [0, 1, 1, 1], [], []>, transpose_lhs_hint = false} : vector<208x2048xf32>, vector<208x16xf32>, vector<2048x16xf32> -> vector<2048x16xf32>
    %get3A_30 = arith.constant 208 : index
    %get3A_31 = arith.constant 0 : index
    %get3A_32 = vector.load %arg14[%get3A_30, %get3A_31] : memref<416x16xf32, #tpu.memory_space<vmem>>, vector<208x16xf32>
    %dot_general3A_33 = arith.constant dense<0.000000e+00> : vector<2048x16xf32>
    %dot_general3A_34 = tpu.matmul %reshape3A_7, %get3A_32, %dot_general3A_33 {dimension_numbers = #tpu.dot_dimension_numbers<[0], [0], [1], [1], [0, 1, 1, 1], [], []>, transpose_lhs_hint = false} : vector<208x2048xf32>, vector<208x16xf32>, vector<2048x16xf32> -> vector<2048x16xf32>
    %add3A_35 = arith.addf %dot_general3A_29, %dot_general3A_34 : vector<2048x16xf32>
    %mul3A_36 = arith.mulf %add3A_35, %add3A_35 : vector<2048x16xf32>
    %reduce_sum3A = arith.constant dense<0.000000e+00> : vector<2048xf32>
    %reduce_sum3A_37 = vector.multi_reduction <add>, %mul3A_36, %reduce_sum3A [1] : vector<2048x16xf32> to vector<2048xf32>
    %mul3A_38 = arith.mulf %reshape3A, %reshape3A : vector<208x2048xf32>
    %reduce_sum3A_39 = arith.constant dense<0.000000e+00> : vector<2048xf32>
    %reduce_sum3A_40 = vector.multi_reduction <add>, %mul3A_38, %reduce_sum3A_39 [0] : vector<208x2048xf32> to vector<2048xf32>
    %sub3A = arith.subf %reduce_sum3A_37, %reduce_sum3A_40 : vector<2048xf32>
    %mul3A_41 = arith.mulf %reshape3A_7, %reshape3A_7 : vector<208x2048xf32>
    %reduce_sum3A_42 = arith.constant dense<0.000000e+00> : vector<2048xf32>
    %reduce_sum3A_43 = vector.multi_reduction <add>, %mul3A_41, %reduce_sum3A_42 [0] : vector<208x2048xf32> to vector<2048xf32>
    %sub3A_44 = arith.subf %sub3A, %reduce_sum3A_43 : vector<2048xf32>
    %mul3A_45 = arith.constant 5.000000e-01 : f32
    %mul3A_46 = vector.broadcast %mul3A_45 : f32 to vector<2048xf32>
    %mul3A_47 = arith.mulf %mul3A_46, %sub3A_44 : vector<2048xf32>
    %get3A_48 = arith.constant 0 : index
    %get3A_49 = arith.constant 0 : index
    %get3A_50 = vector.load %arg3[%get3A_48, %get3A_49] : memref<26x2048xf32, #tpu.memory_space<vmem>>, vector<26x2048xf32>
    %reduce_sum3A_51 = arith.constant dense<0.000000e+00> : vector<2048xf32>
    %reduce_sum3A_52 = vector.multi_reduction <add>, %get3A_50, %reduce_sum3A_51 [0] : vector<26x2048xf32> to vector<2048xf32>
    %add3A_53 = arith.addf %reduce_sum3A_52, %mul3A_47 : vector<2048xf32>
    %get3A_54 = arith.constant 0 : index
    %get3A_55 = memref.load %arg13[%get3A_54] : memref<1xf32, #tpu.memory_space<smem>>
    %add3A_56 = vector.broadcast %get3A_55 : f32 to vector<2048xf32>
    %add3A_57 = arith.addf %add3A_53, %add3A_56 : vector<2048xf32>
    %mul3A_58 = arith.constant 2048 : i32
    %mul3A_59 = arith.muli %arg0, %mul3A_58 : i32
    %swap3A_60 = arith.index_cast %mul3A_59 : i32 to index
    %swap3A_61 = vector.load %arg17[%swap3A_60] : memref<16384xf32, #tpu.memory_space<vmem>>, vector<2048xf32>
    tpu.vector_store %arg17[%swap3A_60], %add3A_57 {strides = array<i32>} : memref<16384xf32, #tpu.memory_space<vmem>>, vector<2048xf32>,
    %eq3A = arith.constant 7 : i32
    %eq3A_62 = arith.cmpi eq, %arg0, %eq3A : i32
    %convert_element_type3A = arith.extui %eq3A_62 : i1 to i32
    %cond3A = arith.constant 0 : i32
    %cond3A_63 = arith.cmpi ne, %convert_element_type3A, %cond3A : i32
    scf.if %cond3A_63 {
      %get3A_64 = arith.constant 0 : index
      %get3A_65 = arith.constant 0 : index
      %get3A_66 = vector.load %arg16[%get3A_64, %get3A_65] : memref<16384x128xf32, #tpu.memory_space<vmem>>, vector<16384x128xf32>
      %reduce_sum3A_67 = arith.constant dense<0.000000e+00> : vector<128xf32>
      %reduce_sum3A_68 = vector.multi_reduction <add>, %get3A_66, %reduce_sum3A_67 [0] : vector<16384x128xf32> to vector<128xf32>
      %broadcast_in_dim3A = vector.shape_cast %reduce_sum3A_68 : vector<128xf32> to vector<1x128xf32>
      %div3A = arith.constant 1.638400e+04 : f32
      %div3A_69 = vector.broadcast %div3A : f32 to vector<1x128xf32>
      %div3A_70 = arith.divf %broadcast_in_dim3A, %div3A_69 : vector<1x128xf32>
      %sub3A_71 = vector.broadcast %div3A_70 : vector<1x128xf32> to vector<16384x128xf32>
      %sub3A_72 = arith.subf %get3A_66, %sub3A_71 : vector<16384x128xf32>
      %mul3A_73 = arith.mulf %sub3A_72, %sub3A_72 : vector<16384x128xf32>
      %reduce_sum3A_74 = arith.constant dense<0.000000e+00> : vector<128xf32>
      %reduce_sum3A_75 = vector.multi_reduction <add>, %mul3A_73, %reduce_sum3A_74 [0] : vector<16384x128xf32> to vector<128xf32>
      %broadcast_in_dim3A_76 = vector.shape_cast %reduce_sum3A_75 : vector<128xf32> to vector<1x128xf32>
      %div3A_77 = arith.constant 1.638400e+04 : f32
      %div3A_78 = vector.broadcast %div3A_77 : f32 to vector<1x128xf32>
      %div3A_79 = arith.divf %broadcast_in_dim3A_76, %div3A_78 : vector<1x128xf32>
      %get3A_80 = arith.constant 0 : index
      %get3A_81 = arith.constant 0 : index
      %get3A_82 = vector.load %arg6[%get3A_80, %get3A_81] : memref<1x128xf32, #tpu.memory_space<vmem>>, vector<1x128xf32>
      %add3A_83 = arith.constant 9.99999974E-6 : f32
      %add3A_84 = vector.broadcast %add3A_83 : f32 to vector<1x128xf32>
      %add3A_85 = arith.addf %div3A_79, %add3A_84 : vector<1x128xf32>
      %rsqrt3A = math.rsqrt %add3A_85 : vector<1x128xf32>
      %mul3A_86 = arith.mulf %get3A_82, %rsqrt3A : vector<1x128xf32>
      %mul3A_87 = vector.broadcast %mul3A_86 : vector<1x128xf32> to vector<16384x128xf32>
      %mul3A_88 = arith.mulf %sub3A_72, %mul3A_87 : vector<16384x128xf32>
      %get3A_89 = arith.constant 0 : index
      %get3A_90 = arith.constant 0 : index
      %get3A_91 = vector.load %arg7[%get3A_89, %get3A_90] : memref<1x128xf32, #tpu.memory_space<vmem>>, vector<1x128xf32>
      %add3A_92 = vector.broadcast %get3A_91 : vector<1x128xf32> to vector<16384x128xf32>
      %add3A_93 = arith.addf %mul3A_88, %add3A_92 : vector<16384x128xf32>
      %max3A = arith.constant 0.000000e+00 : f32
      %max3A_94 = vector.broadcast %max3A : f32 to vector<16384x128xf32>
      %max3A_95 = arith.maximumf %add3A_93, %max3A_94 : vector<16384x128xf32>
      %get3A_96 = arith.constant 0 : index
      %get3A_97 = arith.constant 0 : index
      %get3A_98 = vector.load %arg8[%get3A_96, %get3A_97] : memref<128x128xf32, #tpu.memory_space<vmem>>, vector<128x128xf32>
      %dot_general3A_99 = arith.constant dense<0.000000e+00> : vector<16384x128xf32>
      %dot_general3A_100 = tpu.matmul %max3A_95, %get3A_98, %dot_general3A_99 {dimension_numbers = #tpu.dot_dimension_numbers<[1], [0], [0], [1], [0, 0, 1, 1], [], []>, transpose_lhs_hint = false} : vector<16384x128xf32>, vector<128x128xf32>, vector<16384x128xf32> -> vector<16384x128xf32>
      %get3A_101 = arith.constant 0 : index
      %get3A_102 = arith.constant 0 : index
      %get3A_103 = vector.load %arg9[%get3A_101, %get3A_102] : memref<1x128xf32, #tpu.memory_space<vmem>>, vector<1x128xf32>
      %add3A_104 = vector.broadcast %get3A_103 : vector<1x128xf32> to vector<16384x128xf32>
      %add3A_105 = arith.addf %dot_general3A_100, %add3A_104 : vector<16384x128xf32>
      %reduce_sum3A_106 = arith.constant dense<0.000000e+00> : vector<128xf32>
      %reduce_sum3A_107 = vector.multi_reduction <add>, %add3A_105, %reduce_sum3A_106 [0] : vector<16384x128xf32> to vector<128xf32>
      %broadcast_in_dim3A_108 = vector.shape_cast %reduce_sum3A_107 : vector<128xf32> to vector<1x128xf32>
      %div3A_109 = arith.constant 1.638400e+04 : f32
      %div3A_110 = vector.broadcast %div3A_109 : f32 to vector<1x128xf32>
      %div3A_111 = arith.divf %broadcast_in_dim3A_108, %div3A_110 : vector<1x128xf32>
      %sub3A_112 = vector.broadcast %div3A_111 : vector<1x128xf32> to vector<16384x128xf32>
      %sub3A_113 = arith.subf %add3A_105, %sub3A_112 : vector<16384x128xf32>
      %mul3A_114 = arith.mulf %sub3A_113, %sub3A_113 : vector<16384x128xf32>
      %reduce_sum3A_115 = arith.constant dense<0.000000e+00> : vector<128xf32>
      %reduce_sum3A_116 = vector.multi_reduction <add>, %mul3A_114, %reduce_sum3A_115 [0] : vector<16384x128xf32> to vector<128xf32>
      %broadcast_in_dim3A_117 = vector.shape_cast %reduce_sum3A_116 : vector<128xf32> to vector<1x128xf32>
      %div3A_118 = arith.constant 1.638400e+04 : f32
      %div3A_119 = vector.broadcast %div3A_118 : f32 to vector<1x128xf32>
      %div3A_120 = arith.divf %broadcast_in_dim3A_117, %div3A_119 : vector<1x128xf32>
      %get3A_121 = arith.constant 0 : index
      %get3A_122 = arith.constant 0 : index
      %get3A_123 = vector.load %arg10[%get3A_121, %get3A_122] : memref<1x128xf32, #tpu.memory_space<vmem>>, vector<1x128xf32>
      %add3A_124 = arith.constant 9.99999974E-6 : f32
      %add3A_125 = vector.broadcast %add3A_124 : f32 to vector<1x128xf32>
      %add3A_126 = arith.addf %div3A_120, %add3A_125 : vector<1x128xf32>
      %rsqrt3A_127 = math.rsqrt %add3A_126 : vector<1x128xf32>
      %mul3A_128 = arith.mulf %get3A_123, %rsqrt3A_127 : vector<1x128xf32>
      %mul3A_129 = vector.broadcast %mul3A_128 : vector<1x128xf32> to vector<16384x128xf32>
      %mul3A_130 = arith.mulf %sub3A_113, %mul3A_129 : vector<16384x128xf32>
      %get3A_131 = arith.constant 0 : index
      %get3A_132 = arith.constant 0 : index
      %get3A_133 = vector.load %arg11[%get3A_131, %get3A_132] : memref<1x128xf32, #tpu.memory_space<vmem>>, vector<1x128xf32>
      %add3A_134 = vector.broadcast %get3A_133 : vector<1x128xf32> to vector<16384x128xf32>
      %add3A_135 = arith.addf %mul3A_130, %add3A_134 : vector<16384x128xf32>
      %max3A_136 = arith.constant 0.000000e+00 : f32
      %max3A_137 = vector.broadcast %max3A_136 : f32 to vector<16384x128xf32>
      %max3A_138 = arith.maximumf %add3A_135, %max3A_137 : vector<16384x128xf32>
      %get3A_139 = arith.constant 0 : index
      %get3A_140 = arith.constant 0 : index
      %get3A_141 = vector.load %arg12[%get3A_139, %get3A_140] : memref<128x1xf32, #tpu.memory_space<vmem>>, vector<128x1xf32>
      %dot_general3A_142 = arith.constant dense<0.000000e+00> : vector<16384x1xf32>
      %dot_general3A_143 = tpu.matmul %max3A_138, %get3A_141, %dot_general3A_142 {dimension_numbers = #tpu.dot_dimension_numbers<[1], [0], [0], [1], [0, 0, 1, 1], [], []>, transpose_lhs_hint = false} : vector<16384x128xf32>, vector<128x1xf32>, vector<16384x1xf32> -> vector<16384x1xf32>
      %squeeze3A = vector.shape_cast %dot_general3A_143 : vector<16384x1xf32> to vector<16384xf32>
      %get3A_144 = arith.constant 0 : index
      %get3A_145 = vector.load %arg17[%get3A_144] : memref<16384xf32, #tpu.memory_space<vmem>>, vector<16384xf32>
      %add3A_146 = arith.addf %get3A_145, %squeeze3A : vector<16384xf32>
      %abs3A = math.absf %add3A_146 : vector<16384xf32>
      %neg3A = arith.constant 0.000000e+00 : f32
      %neg3A_147 = vector.broadcast %neg3A : f32 to vector<16384xf32>
      %neg3A_148 = arith.subf %neg3A_147, %abs3A : vector<16384xf32>
      %exp3A = math.exp %neg3A_148 : vector<16384xf32>
      %ge3A = arith.constant 0.000000e+00 : f32
      %ge3A_149 = vector.broadcast %ge3A : f32 to vector<16384xf32>
      %ge3A_150 = arith.cmpf oge, %add3A_146, %ge3A_149 : vector<16384xf32>
      %add3A_151 = arith.constant 1.000000e+00 : f32
      %add3A_152 = vector.broadcast %add3A_151 : f32 to vector<16384xf32>
      %add3A_153 = arith.addf %add3A_152, %exp3A : vector<16384xf32>
      %div3A_154 = arith.constant 1.000000e+00 : f32
      %div3A_155 = vector.broadcast %div3A_154 : f32 to vector<16384xf32>
      %div3A_156 = arith.divf %div3A_155, %add3A_153 : vector<16384xf32>
      %add3A_157 = arith.constant 1.000000e+00 : f32
      %add3A_158 = vector.broadcast %add3A_157 : f32 to vector<16384xf32>
      %add3A_159 = arith.addf %add3A_158, %exp3A : vector<16384xf32>
      %div3A_160 = arith.divf %exp3A, %add3A_159 : vector<16384xf32>
      %select_n3A = arith.select %ge3A_150, %div3A_156, %div3A_160 : vector<16384xi1>, vector<16384xf32>
      %swap3A_161 = arith.constant 0 : index
      %swap3A_162 = vector.load %arg15[%swap3A_161] : memref<16384xf32, #tpu.memory_space<vmem>>, vector<16384xf32>
      tpu.vector_store %arg15[%swap3A_161], %select_n3A {strides = array<i32>} : memref<16384xf32, #tpu.memory_space<vmem>>, vector<16384xf32>,
    } else {
    }
    return
  }
  func.func @transform_0(%arg0: i32) -> (i32, i32, i32) {
    %c0_i32 = arith.constant 0 : i32
    %c0_i32_0 = arith.constant 0 : i32
    %c0_i32_1 = arith.constant 0 : i32
    return %c0_i32, %arg0, %c0_i32_0 : i32, i32, i32
  }
  func.func @transform_1(%arg0: i32) -> (i32, i32, i32) {
    %c0_i32 = arith.constant 0 : i32
    %c0_i32_0 = arith.constant 0 : i32
    %c0_i32_1 = arith.constant 0 : i32
    return %c0_i32, %arg0, %c0_i32_0 : i32, i32, i32
  }
  func.func @transform_2(%arg0: i32) -> (i32, i32) {
    %c0_i32 = arith.constant 0 : i32
    %c0_i32_0 = arith.constant 0 : i32
    return %c0_i32, %arg0 : i32, i32
  }
  func.func @transform_3(%arg0: i32) -> (i32, i32) {
    %c0_i32 = arith.constant 0 : i32
    %c0_i32_0 = arith.constant 0 : i32
    %c0_i32_1 = arith.constant 0 : i32
    return %c0_i32, %c0_i32_0 : i32, i32
  }
  func.func @transform_4(%arg0: i32) -> (i32, i32) {
    %c0_i32 = arith.constant 0 : i32
    %c0_i32_0 = arith.constant 0 : i32
    %c0_i32_1 = arith.constant 0 : i32
    return %c0_i32, %c0_i32_0 : i32, i32
  }
  func.func @transform_5(%arg0: i32) -> (i32, i32) {
    %c0_i32 = arith.constant 0 : i32
    %c0_i32_0 = arith.constant 0 : i32
    %c0_i32_1 = arith.constant 0 : i32
    return %c0_i32, %c0_i32_0 : i32, i32
  }
  func.func @transform_6(%arg0: i32) -> (i32, i32) {
    %c0_i32 = arith.constant 0 : i32
    %c0_i32_0 = arith.constant 0 : i32
    %c0_i32_1 = arith.constant 0 : i32
    return %c0_i32, %c0_i32_0 : i32, i32
  }
  func.func @transform_7(%arg0: i32) -> (i32, i32) {
    %c0_i32 = arith.constant 0 : i32
    %c0_i32_0 = arith.constant 0 : i32
    %c0_i32_1 = arith.constant 0 : i32
    return %c0_i32, %c0_i32_0 : i32, i32
  }
  func.func @transform_8(%arg0: i32) -> (i32, i32) {
    %c0_i32 = arith.constant 0 : i32
    %c0_i32_0 = arith.constant 0 : i32
    %c0_i32_1 = arith.constant 0 : i32
    return %c0_i32, %c0_i32_0 : i32, i32
  }
  func.func @transform_9(%arg0: i32) -> (i32, i32) {
    %c0_i32 = arith.constant 0 : i32
    %c0_i32_0 = arith.constant 0 : i32
    %c0_i32_1 = arith.constant 0 : i32
    return %c0_i32, %c0_i32_0 : i32, i32
  }
  func.func @transform_10(%arg0: i32) -> (i32, i32) {
    %c0_i32 = arith.constant 0 : i32
    %c0_i32_0 = arith.constant 0 : i32
    %c0_i32_1 = arith.constant 0 : i32
    return %c0_i32, %c0_i32_0 : i32, i32
  }
  func.func @transform_11(%arg0: i32) -> (i32, i32) {
    %c0_i32 = arith.constant 0 : i32
    %c0_i32_0 = arith.constant 0 : i32
    %c0_i32_1 = arith.constant 0 : i32
    return %c0_i32, %c0_i32_0 : i32, i32
  }
  func.func @transform_12(%arg0: i32) -> i32 {
    %c0_i32 = arith.constant 0 : i32
    %c0_i32_0 = arith.constant 0 : i32
    return %c0_i32 : i32
  }
  func.func @transform_13(%arg0: i32) -> (i32, i32) {
    %c0_i32 = arith.constant 0 : i32
    %c0_i32_0 = arith.constant 0 : i32
    %c0_i32_1 = arith.constant 0 : i32
    return %c0_i32, %c0_i32_0 : i32, i32
  }
  func.func @transform_14(%arg0: i32) -> i32 {
    %c0_i32 = arith.constant 0 : i32
    %c0_i32_0 = arith.constant 0 : i32
    return %c0_i32 : i32
  }
}

</mosaic_0001>

<sc_bundles>
// kernel: kernel.11.cloned.1.call-start
scs
__scs_entry_jumppad:
0x0: {  	(pc) =	sbr.rel $0x88, $3  }
0x1: {  	(tag) =	ssettag $0x0;
	lr =	simm.s32 $0x1  }
0x2: {  	[smem:$0x3F93] =	sst lr;
	_ =	strace $0xD0000000  }
0x3: {  	_ = 	snop  }
0x4: {  	_ = 	snop  }
0x5: {  	_ = 	snop  }
0x6: {  	_ = 	snop  }
0x7: {  	_ = 	snop  }
__scs_overlays_trampoline_lowered:
0x8: {  	[smem:$0x3FA2] =	sst s0  }
0x9: {  	[smem:$0x3FA3] =	sst s1  }
0xa: {  	[smem:$0x3FA4] =	sst s2  }
0xb: {  	[smem:$0x3FA5] =	sst s3  }
0xc: {  	[smem:$0x3FA6] =	sst s4  }
0xd: {  	[smem:$0x3FA7] =	sst s5  }
0xe: {  	[smem:$0x3FA8] =	sst s6  }
0xf: {  	[smem:$0x3FA9] =	sst s7  }
0x10: {  	[smem:$0x3FAA] =	sst s8  }
0x11: {  	[smem:$0x3FAB] =	sst s9;
	s0 =	simm.s32 @!p0 $0x0  }
0x12: {  	s1 =	sld [smem:$0x3F91];
	s0 =	simm.s32 @p0 $0x1  }
0x13: {  	[smem:$0x3FAC] =	sst s0;
	s0 =	simm.s32 @!p1 $0x0  }
0x14: {  	s2 =	sld [smem:$0x3F90];
	s0 =	simm.s32 @p1 $0x1  }
0x15: {  	[smem:$0x3FAD] =	sst s0;
	s0 =	simm.s32 @!p2 $0x0  }
0x16: {  	s3 =	sld [smem:$0x3FDB];
	s0 =	simm.s32 @p2 $0x1  }
0x17: {  	s4 =	simm.s32 $0x1BF5;
	[smem:$0x3FAF] =	sst s0  }
0x18: {  	s0 =	sld [smem:$0x3F92];
	_ =	swait.ge [sflag:s4], $0x0  }
0x19: {  	s7 =	sld [smem:$0x3F93]  }
0x1a: {  	s8 =	sadd.s32 $0xFFFFE003, lr  }
0x1b: {  	s9 =	sadd.s32 $0xFFFFFEF7, lr;
	s5 =	simm.s32 $0xFFFFFFFF;
	p2 =	slt.u32 s8, $0xFFFFF086  }
0x1c: {  	p1 =	slt.u32 s9, $0xF7A;
	s5 =	simm.s32 @!p2 $0x0  }
0x1d: {  	s5 =	simm.s32 @p1 $0x1;
	p0 =	seq.s32 s7, s2  }
0x1e: {  	s7 =	smul.u32 @!p0 $0xF7A, s2;
	p2 =	seq.s32 @!p0 s5, $0x0  }
0x1f: {  	s9 =	smul.u32 $0xF7A, s1;
	s8 =	simm.s32 @!p0 $0x1BF5;
	p2 =	por !p2, p0  }
0x20: {  	[sflag:s8] =	ssyncset.s32 @!p0 $0xFFFFF086;
	s6 =	sadd.s32 @!p0 s3, s7;
	s7 =	simm.s32 @!p0 $0x108  }
0x21: {  	s3 =	sadd.s32 s3, s9;
	s6 =	sadd.s32 @!p0 $0x88, s6;
	s7 =	simm.s32 @p2 $0x1082  }
0x22: {  	[simem:s7], [sflag:s8] =	dma.local @!p0 [hbm:s6], $0xF7A  }
0x23: {  	s9 =	sor.u32 $0xD0000000, s2;
	s6 =	simm.s32 $0x108;
	_ =	swait.ge @!p0 [sflag:s8], $0x0  }
0x24: {  	s3 =	sadd.s32 $0x88, s3;
	s6 =	simm.s32 @!p1 $0x1082;
	[sflag:s4] =	ssyncset.s32 $0xFFFFF086  }
0x25: {  	[simem:s6], [sflag:s4] =	dma.local [hbm:s3], $0xF7A  }
0x26: {  	[smem:$0x3F93] =	sst s1;
	(tag) =	ssettag s2;
	_ =	strace s9  }
0x27: {  	s1 =	sld [smem:$0x3FA3]  }
0x28: {  	s2 =	sld [smem:$0x3FA4]  }
0x29: {  	s4 =	sld [smem:$0x3FA6]  }
0x2a: {  	p0 =	seq.s32 s5, $0x0;
	s5 =	sld [smem:$0x3FA7]  }
0x2b: {  	s6 =	sld [smem:$0x3FA8]  }
0x2c: {  	s7 =	sld [smem:$0x3FA9]  }
0x2d: {  	s3 =	simm.s32 $0x108;
	s8 =	sld [smem:$0x3FAA]  }
0x2e: {  	s3 =	simm.s32 @!p0 $0x1082;
	s9 =	sld [smem:$0x3FAB]  }
0x2f: {  	lr =	sadd.s32 s0, s3;
	s0 =	sld [smem:$0x3FA2]  }
0x30: {  	s3 =	sld [smem:$0x3FA5]  }
0x31: {  	[smem:$0x3FAE] =	sst s10  }
0x32: {  	s10 =	sld [smem:$0x3FAC];
	_ =	sdelay $0x3  }
0x33: {  	p0 =	seq.s32 s10, $0x1;
	s10 =	sld [smem:$0x3FAE];
	_ =	sdelay $0x3  }
0x34: {  	[smem:$0x3FAE] =	sst s10  }
0x35: {  	s10 =	sld [smem:$0x3FAD];
	_ =	sdelay $0x3  }
0x36: {  	p1 =	seq.s32 s10, $0x1;
	s10 =	sld [smem:$0x3FAE];
	_ =	sdelay $0x3  }
0x37: {  	[smem:$0x3FAE] =	sst s10  }
0x38: {  	s10 =	sld [smem:$0x3FAF]  }
0x39: {  	_ = 	snop;
	(pc) =	sbr.ind lr, $3  }
0x3a: {  	_ = 	snop  }
0x3b: {  	_ = 	snop  }
0x3c: {  	p2 =	seq.s32 s10, $0x1;
	s10 =	sld [smem:$0x3FAE]  }
0x3d: {  	_ =	shalt  }
0x3e: {  	_ =	shalt  }
0x3f: {  	_ =	shalt  }
0x40: {  	_ =	shalt  }
0x41: {  	_ =	shalt  }
0x42: {  	_ =	shalt  }
0x43: {  	_ =	shalt  }
0x44: {  	_ =	shalt  }
0x45: {  	_ =	shalt  }
0x46: {  	_ =	shalt  }
0x47: {  	_ =	shalt  }
0x48: {  	_ =	shalt  }
0x49: {  	_ =	shalt  }
0x4a: {  	_ =	shalt  }
0x4b: {  	_ =	shalt  }
0x4c: {  	_ =	shalt  }
0x4d: {  	_ =	shalt  }
0x4e: {  	_ =	shalt  }
0x4f: {  	_ =	shalt  }
0x50: {  	_ =	shalt  }
0x51: {  	_ =	shalt  }
0x52: {  	_ =	shalt  }
0x53: {  	_ =	shalt  }
0x54: {  	_ =	shalt  }
0x55: {  	_ =	shalt  }
0x56: {  	_ =	shalt  }
0x57: {  	_ =	shalt  }
0x58: {  	_ =	shalt  }
0x59: {  	_ =	shalt  }
0x5a: {  	_ =	shalt  }
0x5b: {  	_ =	shalt  }
0x5c: {  	_ =	shalt  }
0x5d: {  	_ =	shalt  }
0x5e: {  	_ =	shalt  }
0x5f: {  	_ =	shalt  }
0x60: {  	_ =	shalt  }
0x61: {  	_ =	shalt  }
0x62: {  	_ =	shalt  }
0x63: {  	_ =	shalt  }
0x64: {  	_ =	shalt  }
0x65: {  	_ =	shalt  }
0x66: {  	_ =	shalt  }
0x67: {  	_ =	shalt  }
0x68: {  	_ =	shalt  }
0x69: {  	_ =	shalt  }
0x6a: {  	_ =	shalt  }
0x6b: {  	_ =	shalt  }
0x6c: {  	_ =	shalt  }
0x6d: {  	_ =	shalt  }
0x6e: {  	_ =	shalt  }
0x6f: {  	_ =	shalt  }
0x70: {  	_ =	shalt  }
0x71: {  	_ =	shalt  }
0x72: {  	_ =	shalt  }
0x73: {  	_ =	shalt  }
0x74: {  	_ =	shalt  }
0x75: {  	_ =	shalt  }
0x76: {  	_ =	shalt  }
0x77: {  	_ =	shalt  }
0x78: {  	_ =	shalt  }
0x79: {  	_ =	shalt  }
0x7a: {  	_ =	shalt  }
0x7b: {  	_ =	shalt  }
0x7c: {  	_ =	shalt  }
0x7d: {  	_ =	shalt  }
0x7e: {  	_ =	shalt  }
0x7f: {  	_ =	shalt  }
0x80: {  	_ =	shalt  }
0x81: {  	_ =	shalt  }
0x82: {  	_ =	shalt  }
0x83: {  	_ =	shalt  }
0x84: {  	_ =	shalt  }
0x85: {  	_ =	shalt  }
0x86: {  	_ =	shalt  }
0x87: {  	_ =	shalt  }
.Lfunc_end0:
.L_simem_size_0:
called_computation.1_lowered:
.L_overlay_start_0:
0x88: {  	s2 =	sld [smem:$0x3FD9]  }
0x89: {  	s3 =	sld [smem:$0x3FFE];
	_ =	sdelay $0x1  }
0x8a: {  	s1 =	srdreg.scid  }
0x8b: {  	s0 =	sand.u32 $0x1, s1  }
0x8c: {  	s17 =	sshll.u32 s0, $0xA;
	s2 =	sadd.s32 s3, s2  }
0x8d: {  	s2 =	sadd.s32 s2, s17  }
0x8e: {  	[smem:$0x3FBA] =	sst s2  }
0x8f: {  	_ = 	snop  }
0x90: {  	(tm) =	ssettm $0x1  }
0x91: {  	s18 =	sld [smem:$0x3FFB];
	_ =	sdelay $0x3  }
0x92: {  	_ =	strace s18  }
0x93: {  	s2 =	sld [smem:$0x3FFC];
	_ =	sdelay $0x3  }
0x94: {  	_ =	strace s2  }
0x95: {  	s2 =	sld [smem:$0x3FFD];
	_ =	sdelay $0x3  }
0x96: {  	_ =	strace s2  }
0x97: {  	_ =	strace $0x8FFFFFFF  }
0x98: {  	s19 =	sld [smem:$0x3FDB];
	_ =	sdelay $0x1  }
0x99: {  	s20 =	simm.s32 $_scs_section_size  }
0x9a: {  	s4 =	simm.s32 $_size__tile_overlayer_lowered;
	s5 =	simm.s32 $_tile_overlayer_lowered  }
0x9b: {  	s6 =	simm.s32 $0x1BFF;
	s21 =	sshll.u32 s5, $0x1;
	s3 =	sadd.s32 s20, s19  }
0x9c: {  	s22 =	simm.s32 $0x0;
	s4 =	sshll.u32 s4, $0x1;
	s5 =	sadd.s32 s21, s3  }
0x9d: {  	[timem:s22], [sflag:s6] =	dma.local [hbm:s5], s4  }
0x9e: {  	_ =	swait.ge [sflag:s6], s4  }
0x9f: {  	s4 =	ssub.s32 $0x0, s4;
	[sflag:s6] =	ssyncset.done $0x0  }
0xa0: {  	[sflag:s6] =	ssyncadd.s32 s4;
	_ =	sdelay $0x1  }
0xa1: {  	s23 =	simm.s32 $0x1B8B  }
0xa2: {  	_ =	swait.ge [sflag:s23], $0x1  }
0xa3: {  	[sflag:s23] =	ssyncset.done $0x0  }
0xa4: {  	[sflag:s23] =	ssyncadd.s32 $0xFFFFFFFF  }
0xa5: {  	s4 =	sld [smem:$0x0]  }
0xa6: {  	s5 =	sand.u32 $0xFFFFFFFE, s1  }
0xa7: {  	p0 =	sne.s32 s1, s5  }
0xa8: {  	s5 =	sshll.u32 @p0 s5, $0xE  }
0xa9: {  	s5 =	sadd.s32 @p0 $0x11B8D, s5;
	s6 =	sshll.u32 @p0 s4, $0x11  }
0xaa: {  	s5 =	sor.u32 @p0 s6, s5  }
0xab: {  	[sflag:s5] =	ssyncadd.remote.s32 @p0 $0x1;
	_ =	sdelay $0x1  }
0xac: {  	s5 =	simm.s32 @p0 $0x1B8D  }
0xad: {  	_ =	swait.eq @p0 [sflag:s5], $0x1  }
0xae: {  	[sflag:s5] =	ssyncadd.s32 @p0 $0xFFFFFFFF  }
0xaf: {  	s6 =	sshll.u32 @!p0 s1, $0xE  }
0xb0: {  	s6 =	sor.u32 @!p0 $0x4000, s6;
	s5 =	simm.s32 @!p0 $0x1B8D  }
0xb1: {  	s4 =	sshll.u32 @!p0 s4, $0x11;
	s6 =	sadd.s32 @!p0 $0x11B8D, s6;
	_ =	swait.eq @!p0 [sflag:s5], $0x1  }
0xb2: {  	s4 =	sor.u32 @!p0 s4, s6;
	[sflag:s5] =	ssyncadd.s32 @!p0 $0xFFFFFFFF  }
0xb3: {  	s25 =	simm.s32 $0x1B8E;
	s24 =	sld [smem:$0x3FFE];
	[sflag:s4] =	ssyncadd.remote.s32 @!p0 $0x1  }
0xb4: {  	s26 =	simm.s32 $execute0_lowered;
	[smem:$0x3FD2] =	sst s25  }
0xb5: {  	s5 =	sshll.u32 s26, $0x1;
	_ =	strace $0x80000049;
	[dreg:$0x1] =	wrdreg $0xFFFFFFFF  }
0xb6: {  	s28 =	simm.s32 $_size_execute0_lowered;
	s3 =	sadd.s32 s3, s5;
	[dreg:$0x0] =	wrdreg $0x0  }
0xb7: {  	s5 =	sshll.u32 s28, $0x1;
	[dreg:$0x2] =	wrdreg s3  }
0xb8: {  	[dreg:$0x3] =	wrdreg s5  }
0xb9: {  	[dreg:$0x4] =	wrdreg $0xC0  }
0xba: {  	_ =	task [dreg:s22], $0x5FFFF  }
0xbb: {  	[dreg:$0x1] =	wrdreg $0xFFFFFFFF  }
0xbc: {  	[dreg:$0x0] =	wrdreg $0x60  }
0xbd: {  	[dreg:$0x2] =	wrdreg s24  }
0xbe: {  	[dreg:$0x3] =	wrdreg $0xA  }
0xbf: {  	_ =	task.clear_ibuf [dreg:s22], $0x4FFFF;
	_ =	strace $0x90000049  }
0xc0: {  	s29 =	simm.s32 $0xA;
	_ =	strace $0x8000004B  }
0xc1: {  	_ =	swait.ge [sflag:s29], $0x1  }
0xc2: {  	[sflag:s29] =	ssyncadd.s32 $0xFFFFFFFF  }
0xc3: {  	_ =	strace $0x9000004B  }
0xc4: {  	_ =	sfence  }
0xc5: {  	s30 =	sld [smem:$0x0];
	_ =	sdelay $0x2  }
0xc6: {  	s31 =	sshll.u32 s1, $0xD;
	s1 =	sshrl.u32 s1, $0x2  }
0xc7: {  	s4 =	sand.u32 $0x4000, s31;
	s1 =	sadd.s32 s1, s30  }
0xc8: {  	s0 =	sor.u32 s4, s0;
	s1 =	sshll.u32 s1, $0x11  }
0xc9: {  	s0 =	sor.u32 s1, s0  }
0xca: {  	s0 =	sadd.s32 $0x8F2B, s0  }
0xcb: {  	[sflag:s0] =	ssyncadd.remote.s32 $0x1  }
0xcc: {  	_ =	sfence.sel $0xFFFF  }
0xcd: {  	[dreg:$0x0] =	wrdreg $0xFFFFFFFF;
	(pc) =	sbr.abs _section_cstart, $3  }
0xce: {  	[dreg:$0x1] =	wrdreg $0xFFFFFFFF  }
0xcf: {  	_ =	task.clear_ibuf [dreg:s22], $0x2FFFF;
	_ =	strace $0x9FFFFFFF  }
0xd0: {  	(tm) =	ssettm $0x7FFFFFFF  }
0xd1: {  	_ =	shalt  }
tec
execute0_lowered:
.L_overlay_start_1:
0x0: {  	(tag) =	ssettag $0x1  }
0x1: {  	s1 =	srdreg.scid  }
0x2: {  	s0 =	stileid.u32;
	s5 =	rddreg [dreg:$0x0]  }
0x3: {  	s2 =	simm.s32 $0x0;
	s8 =	simm.s32 $0x1000;
	s9 =	simm.s32 $0x2000  }
0x4: {  	s10 =	simm.s32 $0x3000;
	s3 =	sand.u32 $0x1, s1;
	s4 =	smul.u32 $0x34000, s0  }
0x5: {  	s11 =	simm.s32 $0x1;
	s12 =	simm.s32 $0x2;
	s6 =	smul.u32 $0x1A000, s3  }
0x6: {  	s13 =	simm.s32 $0x0;
	s1 =	rddreg [dreg:$0x1];
	s3 =	ssub.s32 $0x2, s3  }
0x7: {  	[smem:$0x7FF] =	sst s2;
	s31 =	sshrl.u32 s3, $0x1;
	s4 =	sadd.s32 s6, s4  }
0x8: {  	_ =	strace $0x8000004A;
	s6 =	ssub.s32 s3, s31;
	s4 =	sshrl.u32 s4, $0x3  }
0x9: {  	s3 =	sadd.s32 $0x34F400, s5;
	s7 =	sadd.s32 s4, s5;
	s4 =	smax.u32 s6, $0x1  }
0xa: {  	s5 =	sadd.s32 $0x2E7400, s7;
	s6 =	sadd.s32 $0x5CA200, s7;
	s7 =	simm.s32 $0x3  }
.LBB2_1:
0xb: {  	s14 =	sadd.s32 $0x0, s5  }
0xc: {  	[tilespmem:s2], [sflag:$0x3] =	stream.linear.gather [hbm4b:s14+s2], $0x1000, $0x38;
	[tilespmem:$0x4000] =	vst v63  }
0xd: {  	_ =	swait.ge [sflag:s7], $0x1000  }
0xe: {  	[sflag:s7] =	ssyncset.done $0x0  }
0xf: {  	[sflag:s7] =	ssyncadd.s32 $0xFFFFF000  }
0x10: {  	[tilespmem:s9], [sflag:$0x1] =	stream.indirect.gather [hbm4b:s3+s8], $0x1, s2, s8, $0xb8;
	[tilespmem:$0x4000] =	vst v63  }
0x11: {  	s14 =	sadd.s32 $0x200, s14  }
0x12: {  	[tilespmem:s8], [sflag:$0x3] =	stream.linear.gather [hbm4b:s14+s2], $0x1000, $0x38;
	[tilespmem:$0x4000] =	vst v63  }
0x13: {  	_ =	swait.ge [sflag:s7], $0x1000  }
0x14: {  	[sflag:s7] =	ssyncset.done $0x0  }
0x15: {  	[sflag:s7] =	ssyncadd.s32 $0xFFFFF000  }
0x16: {  	[tilespmem:s10], [sflag:$0x2] =	stream.indirect.gather [hbm4b:s3+s8], $0x1, s8, s8, $0xb8;
	[tilespmem:$0x4000] =	vst v63  }
0x17: {  	_ =	swait.ge [sflag:s11], $0x1000  }
0x18: {  	[sflag:s11] =	ssyncset.done $0x0  }
0x19: {  	s31 =	sadd.s32 $0x0, s6;
	[sflag:s11] =	ssyncadd.s32 $0xFFFFF000  }
0x1a: {  	[hbm4b:s31+s2] =	stream.linear.scatter [tilespmem:s9], [sflag:$0x3], $0x1000, $0x38;
	[tilespmem:$0x4000] =	vst v63  }
0x1b: {  	_ =	swait.ge [sflag:s7], $0x1000  }
0x1c: {  	[sflag:s7] =	ssyncset.done $0x0  }
0x1d: {  	[sflag:s7] =	ssyncadd.s32 $0xFFFFF000  }
0x1e: {  	_ =	swait.ge [sflag:s12], $0x1000  }
0x1f: {  	[sflag:s12] =	ssyncset.done $0x0  }
0x20: {  	s14 =	sadd.s32 $0x200, s31;
	[sflag:s12] =	ssyncadd.s32 $0xFFFFF000  }
0x21: {  	[hbm4b:s14+s2] =	stream.linear.scatter [tilespmem:s10], [sflag:$0x3], $0x1000, $0x38;
	[tilespmem:$0x4000] =	vst v63  }
0x22: {  	_ =	swait.ge [sflag:s7], $0x1000  }
0x23: {  	s15 =	simm.s32 $0x800;
	s14 =	simm.s32 $0x400;
	[sflag:s7] =	ssyncset.done $0x0  }
.LBB2_2:
0x24: {  	s16 =	sadd.s32 s14, s5  }
0x25: {  	[sflag:s7] =	ssyncadd.s32 $0xFFFFF000;
	s17 =	smov.u32 s15;
	s18 =	sadd.s32 $0x400, s15  }
0x26: {  	[tilespmem:s2], [sflag:$0x3] =	stream.linear.gather [hbm4b:s16+s2], $0x1000, $0x38;
	[tilespmem:$0x4000] =	vst v63  }
0x27: {  	p0 =	sne.s32 s15, $0x3000;
	_ =	swait.ge [sflag:s7], $0x1000  }
0x28: {  	[sflag:s7] =	ssyncset.done $0x0  }
0x29: {  	[sflag:s7] =	ssyncadd.s32 $0xFFFFF000  }
0x2a: {  	[tilespmem:s9], [sflag:$0x1] =	stream.indirect.gather [hbm4b:s3+s8], $0x1, s2, s8, $0xb8;
	[tilespmem:$0x4000] =	vst v63  }
0x2b: {  	s15 =	sadd.s32 $0x200, s16  }
0x2c: {  	[tilespmem:s8], [sflag:$0x3] =	stream.linear.gather [hbm4b:s15+s2], $0x1000, $0x38;
	[tilespmem:$0x4000] =	vst v63  }
0x2d: {  	_ =	swait.ge [sflag:s7], $0x1000  }
0x2e: {  	[sflag:s7] =	ssyncset.done $0x0  }
0x2f: {  	[sflag:s7] =	ssyncadd.s32 $0xFFFFF000  }
0x30: {  	[tilespmem:s10], [sflag:$0x2] =	stream.indirect.gather [hbm4b:s3+s8], $0x1, s8, s8, $0xb8;
	[tilespmem:$0x4000] =	vst v63  }
0x31: {  	_ =	swait.ge [sflag:s11], $0x1000  }
0x32: {  	[sflag:s11] =	ssyncset.done $0x0  }
0x33: {  	s15 =	sadd.s32 s14, s6;
	s14 =	smov.u32 s17;
	[sflag:s11] =	ssyncadd.s32 $0xFFFFF000  }
0x34: {  	[hbm4b:s15+s2] =	stream.linear.scatter [tilespmem:s9], [sflag:$0x3], $0x1000, $0x38;
	[tilespmem:$0x4000] =	vst v63  }
0x35: {  	_ =	swait.ge [sflag:s7], $0x1000  }
0x36: {  	[sflag:s7] =	ssyncset.done $0x0  }
0x37: {  	[sflag:s7] =	ssyncadd.s32 $0xFFFFF000  }
0x38: {  	_ =	swait.ge [sflag:s12], $0x1000  }
.Ltmp0:
0x39: {  	[sflag:s12] =	ssyncset.done $0x0;
	(pc) =	sbr.rel @p0 .LBB2_2-.Ltmp0, $4  }
0x3a: {  	s15 =	sadd.s32 $0x200, s15;
	[sflag:s12] =	ssyncadd.s32 $0xFFFFF000  }
0x3b: {  	[hbm4b:s15+s2] =	stream.linear.scatter [tilespmem:s10], [sflag:$0x3], $0x1000, $0x38;
	[tilespmem:$0x4000] =	vst v63  }
0x3c: {  	_ =	swait.ge [sflag:s7], $0x1000  }
0x3d: {  	s15 =	smov.u32 s18;
	[sflag:s7] =	ssyncset.done $0x0  }
0x3e: {  	s15 =	sadd.s32 s14, s5;
	[sflag:s7] =	ssyncadd.s32 $0xFFFFF000  }
0x3f: {  	[tilespmem:s2], [sflag:$0x3] =	stream.linear.gather [hbm4b:s15+s2], $0x1000, $0x38;
	[tilespmem:$0x4000] =	vst v63  }
0x40: {  	_ =	swait.ge [sflag:s7], $0x1000  }
0x41: {  	[sflag:s7] =	ssyncset.done $0x0  }
0x42: {  	[sflag:s7] =	ssyncadd.s32 $0xFFFFF000  }
0x43: {  	[tilespmem:s9], [sflag:$0x1] =	stream.indirect.gather [hbm4b:s3+s8], $0x1, s2, s8, $0xb8;
	[tilespmem:$0x4000] =	vst v63  }
0x44: {  	s15 =	sadd.s32 $0x200, s15  }
0x45: {  	[tilespmem:s8], [sflag:$0x3] =	stream.linear.gather [hbm4b:s15+s2], $0x1000, $0x38;
	[tilespmem:$0x4000] =	vst v63  }
0x46: {  	_ =	swait.ge [sflag:s7], $0x1000  }
0x47: {  	[sflag:s7] =	ssyncset.done $0x0  }
0x48: {  	[sflag:s7] =	ssyncadd.s32 $0xFFFFF000  }
0x49: {  	[tilespmem:s10], [sflag:$0x2] =	stream.indirect.gather [hbm4b:s3+s8], $0x1, s8, s8, $0xb8;
	[tilespmem:$0x4000] =	vst v63  }
0x4a: {  	_ =	swait.ge [sflag:s11], $0x1000  }
0x4b: {  	[sflag:s11] =	ssyncset.done $0x0  }
0x4c: {  	s31 =	sadd.s32 s14, s6;
	[sflag:s11] =	ssyncadd.s32 $0xFFFFF000  }
0x4d: {  	[hbm4b:s31+s2] =	stream.linear.scatter [tilespmem:s9], [sflag:$0x3], $0x1000, $0x38;
	[tilespmem:$0x4000] =	vst v63  }
0x4e: {  	_ =	swait.ge [sflag:s7], $0x1000  }
0x4f: {  	[sflag:s7] =	ssyncset.done $0x0  }
0x50: {  	[sflag:s7] =	ssyncadd.s32 $0xFFFFF000  }
0x51: {  	s13 =	sadd.s32 $0x1, s13;
	_ =	swait.ge [sflag:s12], $0x1000  }
0x52: {  	p0 =	sne.s32 s13, s4;
	[sflag:s12] =	ssyncset.done $0x0  }
.Ltmp1:
0x53: {  	s14 =	sadd.s32 $0x200, s31;
	[sflag:s12] =	ssyncadd.s32 $0xFFFFF000;
	(pc) =	sbr.rel @p0 .LBB2_1-.Ltmp1, $4  }
0x54: {  	[hbm4b:s14+s2] =	stream.linear.scatter [tilespmem:s10], [sflag:$0x3], $0x1000, $0x38;
	[tilespmem:$0x4000] =	vst v63  }
0x55: {  	_ =	swait.ge [sflag:s7], $0x1000  }
0x56: {  	[sflag:s7] =	ssyncset.done $0x0  }
0x57: {  	[sflag:s7] =	ssyncadd.s32 $0xFFFFF000  }
0x58: {  	_ =	sfence.sel $0x180000  }
0x59: {  	[bflag:$0x0] =	sbarrier.arrive $0xFFFF  }
0x5a: {  	p0 =	sne.s32 s0, $0x0;
	_ =	strace $0x9000004A  }
0x5b: {  	s0 =	sadd.s32 @!p0 $0x100000, s1;
	[bflag:$0x2] =	sbarrier.arrive $0xFFFF  }
0x5c: {  	[sflag:s0] =	ssyncadd.tile.s32 @!p0 $0x1;
	_ =	shalt  }
.Lfunc_end2:
_tile_overlayer_lowered:
.L_overlay_start_2:
0x5d: {  	(tag) =	ssettag $0x2  }
0x5e: {  	s0 =	rddreg [dreg:$0x0];
	s2 =	stileid.u32  }
0x5f: {  	s1 =	rddreg [dreg:$0x1];
	p0 =	sne.s32 s2, $0x0  }
0x60: {  	s3 =	rddreg [dreg:$0x2];
	[bflag:$0x3] =	sbarrier.arrive $0xFFFF;
	s2 =	simm.s32 @!p0 $0x1C03  }
0x61: {  	[timem:s3], [sflag:s2] =	dma.local @!p0 [hbm:s0], s1  }
0x62: {  	s0 =	simm.s32 @!p0 $0x3  }
0x63: {  	_ =	swait.ge @!p0 [sflag:s0], s1  }
0x64: {  	s1 =	ssub.s32 @!p0 $0x0, s1;
	[sflag:s0] =	ssyncset.done @!p0 $0x0  }
0x65: {  	[sflag:s0] =	ssyncadd.s32 @!p0 s1  }
0x66: {  	[bflag:$0x3] =	sbarrier.arrive $0xFFFF  }
0x67: {  	_ =	shalt  }

// kernel: kernel.14.cloned.1.call-start
scs
__scs_entry_jumppad:
0x0: {  	(pc) =	sbr.rel $0x88, $3  }
0x1: {  	(tag) =	ssettag $0x0;
	lr =	simm.s32 $0x1  }
0x2: {  	[smem:$0x3F93] =	sst lr;
	_ =	strace $0xD0000000  }
0x3: {  	_ = 	snop  }
0x4: {  	_ = 	snop  }
0x5: {  	_ = 	snop  }
0x6: {  	_ = 	snop  }
0x7: {  	_ = 	snop  }
__scs_overlays_trampoline_lowered:
0x8: {  	[smem:$0x3FA2] =	sst s0  }
0x9: {  	[smem:$0x3FA3] =	sst s1  }
0xa: {  	[smem:$0x3FA4] =	sst s2  }
0xb: {  	[smem:$0x3FA5] =	sst s3  }
0xc: {  	[smem:$0x3FA6] =	sst s4  }
0xd: {  	[smem:$0x3FA7] =	sst s5  }
0xe: {  	[smem:$0x3FA8] =	sst s6  }
0xf: {  	[smem:$0x3FA9] =	sst s7  }
0x10: {  	[smem:$0x3FAA] =	sst s8  }
0x11: {  	[smem:$0x3FAB] =	sst s9;
	s0 =	simm.s32 @!p0 $0x0  }
0x12: {  	s1 =	sld [smem:$0x3F91];
	s0 =	simm.s32 @p0 $0x1  }
0x13: {  	[smem:$0x3FAC] =	sst s0;
	s0 =	simm.s32 @!p1 $0x0  }
0x14: {  	s2 =	sld [smem:$0x3F90];
	s0 =	simm.s32 @p1 $0x1  }
0x15: {  	[smem:$0x3FAD] =	sst s0;
	s0 =	simm.s32 @!p2 $0x0  }
0x16: {  	s3 =	sld [smem:$0x3FDB];
	s0 =	simm.s32 @p2 $0x1  }
0x17: {  	s4 =	simm.s32 $0x1BF5;
	[smem:$0x3FAF] =	sst s0  }
0x18: {  	s0 =	sld [smem:$0x3F92];
	_ =	swait.ge [sflag:s4], $0x0  }
0x19: {  	s7 =	sld [smem:$0x3F93]  }
0x1a: {  	s8 =	sadd.s32 $0xFFFFE003, lr  }
0x1b: {  	s9 =	sadd.s32 $0xFFFFFEF7, lr;
	s5 =	simm.s32 $0xFFFFFFFF;
	p2 =	slt.u32 s8, $0xFFFFF086  }
0x1c: {  	p1 =	slt.u32 s9, $0xF7A;
	s5 =	simm.s32 @!p2 $0x0  }
0x1d: {  	s5 =	simm.s32 @p1 $0x1;
	p0 =	seq.s32 s7, s2  }
0x1e: {  	s7 =	smul.u32 @!p0 $0xF7A, s2;
	p2 =	seq.s32 @!p0 s5, $0x0  }
0x1f: {  	s9 =	smul.u32 $0xF7A, s1;
	s8 =	simm.s32 @!p0 $0x1BF5;
	p2 =	por !p2, p0  }
0x20: {  	[sflag:s8] =	ssyncset.s32 @!p0 $0xFFFFF086;
	s6 =	sadd.s32 @!p0 s3, s7;
	s7 =	simm.s32 @!p0 $0x108  }
0x21: {  	s3 =	sadd.s32 s3, s9;
	s6 =	sadd.s32 @!p0 $0x88, s6;
	s7 =	simm.s32 @p2 $0x1082  }
0x22: {  	[simem:s7], [sflag:s8] =	dma.local @!p0 [hbm:s6], $0xF7A  }
0x23: {  	s9 =	sor.u32 $0xD0000000, s2;
	s6 =	simm.s32 $0x108;
	_ =	swait.ge @!p0 [sflag:s8], $0x0  }
0x24: {  	s3 =	sadd.s32 $0x88, s3;
	s6 =	simm.s32 @!p1 $0x1082;
	[sflag:s4] =	ssyncset.s32 $0xFFFFF086  }
0x25: {  	[simem:s6], [sflag:s4] =	dma.local [hbm:s3], $0xF7A  }
0x26: {  	[smem:$0x3F93] =	sst s1;
	(tag) =	ssettag s2;
	_ =	strace s9  }
0x27: {  	s1 =	sld [smem:$0x3FA3]  }
0x28: {  	s2 =	sld [smem:$0x3FA4]  }
0x29: {  	s4 =	sld [smem:$0x3FA6]  }
0x2a: {  	p0 =	seq.s32 s5, $0x0;
	s5 =	sld [smem:$0x3FA7]  }
0x2b: {  	s6 =	sld [smem:$0x3FA8]  }
0x2c: {  	s7 =	sld [smem:$0x3FA9]  }
0x2d: {  	s3 =	simm.s32 $0x108;
	s8 =	sld [smem:$0x3FAA]  }
0x2e: {  	s3 =	simm.s32 @!p0 $0x1082;
	s9 =	sld [smem:$0x3FAB]  }
0x2f: {  	lr =	sadd.s32 s0, s3;
	s0 =	sld [smem:$0x3FA2]  }
0x30: {  	s3 =	sld [smem:$0x3FA5]  }
0x31: {  	[smem:$0x3FAE] =	sst s10  }
0x32: {  	s10 =	sld [smem:$0x3FAC];
	_ =	sdelay $0x3  }
0x33: {  	p0 =	seq.s32 s10, $0x1;
	s10 =	sld [smem:$0x3FAE];
	_ =	sdelay $0x3  }
0x34: {  	[smem:$0x3FAE] =	sst s10  }
0x35: {  	s10 =	sld [smem:$0x3FAD];
	_ =	sdelay $0x3  }
0x36: {  	p1 =	seq.s32 s10, $0x1;
	s10 =	sld [smem:$0x3FAE];
	_ =	sdelay $0x3  }
0x37: {  	[smem:$0x3FAE] =	sst s10  }
0x38: {  	s10 =	sld [smem:$0x3FAF]  }
0x39: {  	_ = 	snop;
	(pc) =	sbr.ind lr, $3  }
0x3a: {  	_ = 	snop  }
0x3b: {  	_ = 	snop  }
0x3c: {  	p2 =	seq.s32 s10, $0x1;
	s10 =	sld [smem:$0x3FAE]  }
0x3d: {  	_ =	shalt  }
0x3e: {  	_ =	shalt  }
0x3f: {  	_ =	shalt  }
0x40: {  	_ =	shalt  }
0x41: {  	_ =	shalt  }
0x42: {  	_ =	shalt  }
0x43: {  	_ =	shalt  }
0x44: {  	_ =	shalt  }
0x45: {  	_ =	shalt  }
0x46: {  	_ =	shalt  }
0x47: {  	_ =	shalt  }
0x48: {  	_ =	shalt  }
0x49: {  	_ =	shalt  }
0x4a: {  	_ =	shalt  }
0x4b: {  	_ =	shalt  }
0x4c: {  	_ =	shalt  }
0x4d: {  	_ =	shalt  }
0x4e: {  	_ =	shalt  }
0x4f: {  	_ =	shalt  }
0x50: {  	_ =	shalt  }
0x51: {  	_ =	shalt  }
0x52: {  	_ =	shalt  }
0x53: {  	_ =	shalt  }
0x54: {  	_ =	shalt  }
0x55: {  	_ =	shalt  }
0x56: {  	_ =	shalt  }
0x57: {  	_ =	shalt  }
0x58: {  	_ =	shalt  }
0x59: {  	_ =	shalt  }
0x5a: {  	_ =	shalt  }
0x5b: {  	_ =	shalt  }
0x5c: {  	_ =	shalt  }
0x5d: {  	_ =	shalt  }
0x5e: {  	_ =	shalt  }
0x5f: {  	_ =	shalt  }
0x60: {  	_ =	shalt  }
0x61: {  	_ =	shalt  }
0x62: {  	_ =	shalt  }
0x63: {  	_ =	shalt  }
0x64: {  	_ =	shalt  }
0x65: {  	_ =	shalt  }
0x66: {  	_ =	shalt  }
0x67: {  	_ =	shalt  }
0x68: {  	_ =	shalt  }
0x69: {  	_ =	shalt  }
0x6a: {  	_ =	shalt  }
0x6b: {  	_ =	shalt  }
0x6c: {  	_ =	shalt  }
0x6d: {  	_ =	shalt  }
0x6e: {  	_ =	shalt  }
0x6f: {  	_ =	shalt  }
0x70: {  	_ =	shalt  }
0x71: {  	_ =	shalt  }
0x72: {  	_ =	shalt  }
0x73: {  	_ =	shalt  }
0x74: {  	_ =	shalt  }
0x75: {  	_ =	shalt  }
0x76: {  	_ =	shalt  }
0x77: {  	_ =	shalt  }
0x78: {  	_ =	shalt  }
0x79: {  	_ =	shalt  }
0x7a: {  	_ =	shalt  }
0x7b: {  	_ =	shalt  }
0x7c: {  	_ =	shalt  }
0x7d: {  	_ =	shalt  }
0x7e: {  	_ =	shalt  }
0x7f: {  	_ =	shalt  }
0x80: {  	_ =	shalt  }
0x81: {  	_ =	shalt  }
0x82: {  	_ =	shalt  }
0x83: {  	_ =	shalt  }
0x84: {  	_ =	shalt  }
0x85: {  	_ =	shalt  }
0x86: {  	_ =	shalt  }
0x87: {  	_ =	shalt  }
.Lfunc_end0:
.L_simem_size_0:
called_computation.2_lowered:
.L_overlay_start_0:
0x88: {  	s2 =	sld [smem:$0x3FD9]  }
0x89: {  	s3 =	sld [smem:$0x3FFE];
	_ =	sdelay $0x1  }
0x8a: {  	s1 =	srdreg.scid  }
0x8b: {  	s0 =	sand.u32 $0x1, s1  }
0x8c: {  	s16 =	sshll.u32 s0, $0xA;
	s2 =	sadd.s32 s3, s2  }
0x8d: {  	s2 =	sadd.s32 s2, s16  }
0x8e: {  	[smem:$0x3FBA] =	sst s2  }
0x8f: {  	_ = 	snop  }
0x90: {  	(tm) =	ssettm $0x1  }
0x91: {  	s17 =	sld [smem:$0x3FFB];
	_ =	sdelay $0x3  }
0x92: {  	_ =	strace s17  }
0x93: {  	s2 =	sld [smem:$0x3FFC];
	_ =	sdelay $0x3  }
0x94: {  	_ =	strace s2  }
0x95: {  	s2 =	sld [smem:$0x3FFD];
	_ =	sdelay $0x3  }
0x96: {  	_ =	strace s2  }
0x97: {  	_ =	strace $0x8FFFFFFF  }
0x98: {  	s18 =	sld [smem:$0x3FDB];
	_ =	sdelay $0x1  }
0x99: {  	s19 =	simm.s32 $_scs_section_size  }
0x9a: {  	s4 =	simm.s32 $_size__tile_overlayer_lowered;
	s5 =	simm.s32 $_tile_overlayer_lowered  }
0x9b: {  	s22 =	simm.s32 $0x1BFF;
	s21 =	sshll.u32 s5, $0x1;
	s2 =	sadd.s32 s19, s18  }
0x9c: {  	s6 =	simm.s32 $0x0;
	s20 =	sshll.u32 s4, $0x1;
	s4 =	sadd.s32 s21, s2  }
0x9d: {  	[timem:s6], [sflag:s22] =	dma.local [hbm:s4], s20  }
0x9e: {  	_ =	swait.ge [sflag:s22], s20  }
0x9f: {  	s3 =	ssub.s32 $0x0, s20;
	[sflag:s22] =	ssyncset.done $0x0  }
0xa0: {  	[sflag:s22] =	ssyncadd.s32 s3;
	_ =	sdelay $0x1  }
0xa1: {  	s23 =	simm.s32 $0x1B8B  }
0xa2: {  	_ =	swait.ge [sflag:s23], $0x1  }
0xa3: {  	[sflag:s23] =	ssyncset.done $0x0  }
0xa4: {  	s25 =	simm.s32 $0x1B8E;
	s24 =	sld [smem:$0x3FFE];
	[sflag:s23] =	ssyncadd.s32 $0xFFFFFFFF  }
0xa5: {  	s26 =	simm.s32 $execute0_lowered;
	[smem:$0x3FD2] =	sst s25  }
0xa6: {  	s4 =	sshll.u32 s26, $0x1;
	_ =	strace $0x80000046;
	[dreg:$0x1] =	wrdreg $0xFFFFFFFF  }
0xa7: {  	s28 =	simm.s32 $_size_execute0_lowered;
	s2 =	sadd.s32 s2, s4;
	[dreg:$0x0] =	wrdreg $0x0  }
0xa8: {  	s4 =	sshll.u32 s28, $0x1;
	[dreg:$0x2] =	wrdreg s2  }
0xa9: {  	[dreg:$0x3] =	wrdreg s4  }
0xaa: {  	[dreg:$0x4] =	wrdreg $0xC0  }
0xab: {  	_ =	task [dreg:s6], $0x5FFFF  }
0xac: {  	[dreg:$0x1] =	wrdreg $0xFFFFFFFF  }
0xad: {  	[dreg:$0x0] =	wrdreg $0x60  }
0xae: {  	[dreg:$0x2] =	wrdreg s24  }
0xaf: {  	[dreg:$0x3] =	wrdreg $0xB  }
0xb0: {  	_ =	task.clear_ibuf [dreg:s6], $0x4FFFF;
	_ =	strace $0x90000046  }
0xb1: {  	s29 =	simm.s32 $0xB;
	_ =	strace $0x80000048  }
0xb2: {  	_ =	swait.ge [sflag:s29], $0x1  }
0xb3: {  	[sflag:s29] =	ssyncadd.s32 $0xFFFFFFFF  }
0xb4: {  	_ =	strace $0x90000048  }
0xb5: {  	_ =	sfence  }
0xb6: {  	s30 =	sld [smem:$0x0];
	_ =	sdelay $0x2  }
0xb7: {  	s31 =	sshll.u32 s1, $0xD;
	s1 =	sshrl.u32 s1, $0x2  }
0xb8: {  	s3 =	sand.u32 $0x4000, s31;
	s1 =	sadd.s32 s1, s30  }
0xb9: {  	s0 =	sor.u32 s3, s0;
	s1 =	sshll.u32 s1, $0x11  }
0xba: {  	s0 =	sor.u32 s1, s0  }
0xbb: {  	s0 =	sadd.s32 $0x8F2B, s0  }
0xbc: {  	[sflag:s0] =	ssyncadd.remote.s32 $0x1  }
0xbd: {  	_ =	sfence.sel $0xFFFF  }
0xbe: {  	[dreg:$0x0] =	wrdreg $0xFFFFFFFF;
	(pc) =	sbr.abs _section_cstart, $3  }
0xbf: {  	[dreg:$0x1] =	wrdreg $0xFFFFFFFF  }
0xc0: {  	_ =	task.clear_ibuf [dreg:s6], $0x2FFFF;
	_ =	strace $0x9FFFFFFF  }
0xc1: {  	(tm) =	ssettm $0x7FFFFFFF  }
tec
execute0_lowered:
.L_overlay_start_1:
0x0: {  	(tag) =	ssettag $0x1  }
0x1: {  	s1 =	srdreg.scid;
	s0 =	stileid.u32  }
0x2: {  	s14 =	sand.u32 $0x1, s1;
	s30 =	sshll.u32 s0, $0x1  }
0x3: {  	s1 =	sor.u32 s14, s30  }
0x4: {  	s8 =	rddreg [dreg:$0x0];
	s2 =	simm.s32 $0x0;
	s3 =	smul.u32 $0x3400, s1  }
0x5: {  	[smem:$0x7FF] =	sst s2  }
0x6: {  	s13 =	sadd.s32 $0x3000, s8;
	s1 =	rddreg [dreg:$0x1];
	s15 =	sshrl.u32 s3, $0x3  }
0x7: {  	_ =	strace $0x80000047;
	s3 =	simm.s32 $0x2;
	s4 =	sadd.s32 s13, s15  }
0x8: {  	[tilespmem:s2], [sflag:$0x2] =	stream.linear.gather [hbm4b:s4+s2], $0xD00, $0x38;
	[tilespmem:$0x1A00] =	vst v63  }
0x9: {  	_ =	swait.ge [sflag:s3], $0xD00  }
0xa: {  	s6 =	simm.s32 $0xD00;
	[sflag:s3] =	ssyncset.done $0x0  }
0xb: {  	s7 =	simm.s32 $0x1;
	s5 =	sadd.s32 $0x28AE00, s8;
	[sflag:s3] =	ssyncadd.s32 $0xFFFFF300  }
0xc: {  	[tilespmem:s6], [sflag:$0x1] =	stream.indirect.gather [hbm4b:s5+s6], $0x1, s2, s6, $0xb8;
	[tilespmem:$0x1A00] =	vst v63  }
0xd: {  	_ =	swait.ge [sflag:s7], $0xD00  }
0xe: {  	s16 =	sadd.s32 $0x2DA400, s8;
	[sflag:s7] =	ssyncset.done $0x0  }
0xf: {  	s8 =	sadd.s32 s16, s15;
	[sflag:s7] =	ssyncadd.s32 $0xFFFFF300  }
0x10: {  	[hbm4b:s8+s2] =	stream.linear.scatter [tilespmem:s6], [sflag:$0x2], $0xD00, $0x38;
	[tilespmem:$0x1A00] =	vst v63  }
0x11: {  	_ =	swait.ge [sflag:s3], $0xD00  }
0x12: {  	s10 =	sadd.s32 $0x1A0, s15;
	[sflag:s3] =	ssyncset.done $0x0  }
0x13: {  	s9 =	sadd.s32 s13, s10;
	[sflag:s3] =	ssyncadd.s32 $0xFFFFF300  }
0x14: {  	[tilespmem:s2], [sflag:$0x2] =	stream.linear.gather [hbm4b:s9+s2], $0xD00, $0x38;
	[tilespmem:$0x1A00] =	vst v63  }
0x15: {  	_ =	swait.ge [sflag:s3], $0xD00  }
0x16: {  	[sflag:s3] =	ssyncset.done $0x0  }
0x17: {  	[sflag:s3] =	ssyncadd.s32 $0xFFFFF300  }
0x18: {  	[tilespmem:s6], [sflag:$0x1] =	stream.indirect.gather [hbm4b:s5+s6], $0x1, s2, s6, $0xb8;
	[tilespmem:$0x1A00] =	vst v63  }
0x19: {  	_ =	swait.ge [sflag:s7], $0xD00  }
0x1a: {  	[sflag:s7] =	ssyncset.done $0x0  }
0x1b: {  	s10 =	sadd.s32 s16, s10;
	[sflag:s7] =	ssyncadd.s32 $0xFFFFF300  }
0x1c: {  	[hbm4b:s10+s2] =	stream.linear.scatter [tilespmem:s6], [sflag:$0x2], $0xD00, $0x38;
	[tilespmem:$0x1A00] =	vst v63  }
0x1d: {  	_ =	swait.ge [sflag:s3], $0xD00  }
0x1e: {  	s12 =	sadd.s32 $0x340, s15;
	[sflag:s3] =	ssyncset.done $0x0  }
0x1f: {  	s11 =	sadd.s32 s13, s12;
	[sflag:s3] =	ssyncadd.s32 $0xFFFFF300  }
0x20: {  	[tilespmem:s2], [sflag:$0x2] =	stream.linear.gather [hbm4b:s11+s2], $0xD00, $0x38;
	[tilespmem:$0x1A00] =	vst v63  }
0x21: {  	_ =	swait.ge [sflag:s3], $0xD00  }
0x22: {  	[sflag:s3] =	ssyncset.done $0x0  }
0x23: {  	[sflag:s3] =	ssyncadd.s32 $0xFFFFF300  }
0x24: {  	[tilespmem:s6], [sflag:$0x1] =	stream.indirect.gather [hbm4b:s5+s6], $0x1, s2, s6, $0xb8;
	[tilespmem:$0x1A00] =	vst v63  }
0x25: {  	_ =	swait.ge [sflag:s7], $0xD00  }
0x26: {  	[sflag:s7] =	ssyncset.done $0x0  }
0x27: {  	s12 =	sadd.s32 s16, s12;
	[sflag:s7] =	ssyncadd.s32 $0xFFFFF300  }
0x28: {  	[hbm4b:s12+s2] =	stream.linear.scatter [tilespmem:s6], [sflag:$0x2], $0xD00, $0x38;
	[tilespmem:$0x1A00] =	vst v63  }
0x29: {  	_ =	swait.ge [sflag:s3], $0xD00  }
0x2a: {  	s15 =	sadd.s32 $0x4E0, s15;
	[sflag:s3] =	ssyncset.done $0x0  }
0x2b: {  	s14 =	ssub.s32 $0x2, s14;
	s13 =	sadd.s32 s13, s15;
	[sflag:s3] =	ssyncadd.s32 $0xFFFFF300  }
0x2c: {  	[tilespmem:s2], [sflag:$0x2] =	stream.linear.gather [hbm4b:s13+s2], $0xD00, $0x38;
	[tilespmem:$0x1A00] =	vst v63  }
0x2d: {  	s17 =	sshrl.u32 s14, $0x1;
	_ =	swait.ge [sflag:s3], $0xD00  }
0x2e: {  	s17 =	ssub.s32 s14, s17;
	[sflag:s3] =	ssyncset.done $0x0  }
0x2f: {  	s31 =	smax.u32 s17, $0x1;
	[sflag:s3] =	ssyncadd.s32 $0xFFFFF300  }
0x30: {  	[tilespmem:s6], [sflag:$0x1] =	stream.indirect.gather [hbm4b:s5+s6], $0x1, s2, s6, $0xb8;
	[tilespmem:$0x1A00] =	vst v63  }
0x31: {  	p0 =	sne.s32 s31, $0x1;
	_ =	swait.ge [sflag:s7], $0xD00  }
.Ltmp0:
0x32: {  	[sflag:s7] =	ssyncset.done $0x0;
	(pc) =	sbr.rel @!p0 .LBB2_2-.Ltmp0, $4  }
0x33: {  	s14 =	sadd.s32 s16, s15;
	[sflag:s7] =	ssyncadd.s32 $0xFFFFF300  }
0x34: {  	[hbm4b:s14+s2] =	stream.linear.scatter [tilespmem:s6], [sflag:$0x2], $0xD00, $0x38;
	[tilespmem:$0x1A00] =	vst v63  }
0x35: {  	_ =	swait.ge [sflag:s3], $0xD00  }
0x36: {  	s15 =	sadd.s32 $0xFFFFFFFF, s31;
	[sflag:s3] =	ssyncset.done $0x0  }
.LBB2_1:
0x37: {  	p0 =	sne.s32 s15, $0x1;
	s15 =	sadd.s32 $0xFFFFFFFF, s15;
	[sflag:s3] =	ssyncadd.s32 $0xFFFFF300  }
0x38: {  	[tilespmem:s2], [sflag:$0x2] =	stream.linear.gather [hbm4b:s4+s2], $0xD00, $0x38;
	[tilespmem:$0x1A00] =	vst v63  }
0x39: {  	_ =	swait.ge [sflag:s3], $0xD00  }
0x3a: {  	[sflag:s3] =	ssyncset.done $0x0  }
0x3b: {  	[sflag:s3] =	ssyncadd.s32 $0xFFFFF300  }
0x3c: {  	[tilespmem:s6], [sflag:$0x1] =	stream.indirect.gather [hbm4b:s5+s6], $0x1, s2, s6, $0xb8;
	[tilespmem:$0x1A00] =	vst v63  }
0x3d: {  	_ =	swait.ge [sflag:s7], $0xD00  }
0x3e: {  	[sflag:s7] =	ssyncset.done $0x0  }
0x3f: {  	[sflag:s7] =	ssyncadd.s32 $0xFFFFF300  }
0x40: {  	[hbm4b:s8+s2] =	stream.linear.scatter [tilespmem:s6], [sflag:$0x2], $0xD00, $0x38;
	[tilespmem:$0x1A00] =	vst v63  }
0x41: {  	_ =	swait.ge [sflag:s3], $0xD00  }
0x42: {  	[sflag:s3] =	ssyncset.done $0x0  }
0x43: {  	[sflag:s3] =	ssyncadd.s32 $0xFFFFF300  }
0x44: {  	[tilespmem:s2], [sflag:$0x2] =	stream.linear.gather [hbm4b:s9+s2], $0xD00, $0x38;
	[tilespmem:$0x1A00] =	vst v63  }
0x45: {  	_ =	swait.ge [sflag:s3], $0xD00  }
0x46: {  	[sflag:s3] =	ssyncset.done $0x0  }
0x47: {  	[sflag:s3] =	ssyncadd.s32 $0xFFFFF300  }
0x48: {  	[tilespmem:s6], [sflag:$0x1] =	stream.indirect.gather [hbm4b:s5+s6], $0x1, s2, s6, $0xb8;
	[tilespmem:$0x1A00] =	vst v63  }
0x49: {  	_ =	swait.ge [sflag:s7], $0xD00  }
0x4a: {  	[sflag:s7] =	ssyncset.done $0x0  }
0x4b: {  	[sflag:s7] =	ssyncadd.s32 $0xFFFFF300  }
0x4c: {  	[hbm4b:s10+s2] =	stream.linear.scatter [tilespmem:s6], [sflag:$0x2], $0xD00, $0x38;
	[tilespmem:$0x1A00] =	vst v63  }
0x4d: {  	_ =	swait.ge [sflag:s3], $0xD00  }
0x4e: {  	[sflag:s3] =	ssyncset.done $0x0  }
0x4f: {  	[sflag:s3] =	ssyncadd.s32 $0xFFFFF300  }
0x50: {  	[tilespmem:s2], [sflag:$0x2] =	stream.linear.gather [hbm4b:s11+s2], $0xD00, $0x38;
	[tilespmem:$0x1A00] =	vst v63  }
0x51: {  	_ =	swait.ge [sflag:s3], $0xD00  }
0x52: {  	[sflag:s3] =	ssyncset.done $0x0  }
0x53: {  	[sflag:s3] =	ssyncadd.s32 $0xFFFFF300  }
0x54: {  	[tilespmem:s6], [sflag:$0x1] =	stream.indirect.gather [hbm4b:s5+s6], $0x1, s2, s6, $0xb8;
	[tilespmem:$0x1A00] =	vst v63  }
0x55: {  	_ =	swait.ge [sflag:s7], $0xD00  }
0x56: {  	[sflag:s7] =	ssyncset.done $0x0  }
0x57: {  	[sflag:s7] =	ssyncadd.s32 $0xFFFFF300  }
0x58: {  	[hbm4b:s12+s2] =	stream.linear.scatter [tilespmem:s6], [sflag:$0x2], $0xD00, $0x38;
	[tilespmem:$0x1A00] =	vst v63  }
0x59: {  	_ =	swait.ge [sflag:s3], $0xD00  }
0x5a: {  	[sflag:s3] =	ssyncset.done $0x0  }
0x5b: {  	[sflag:s3] =	ssyncadd.s32 $0xFFFFF300  }
0x5c: {  	[tilespmem:s2], [sflag:$0x2] =	stream.linear.gather [hbm4b:s13+s2], $0xD00, $0x38;
	[tilespmem:$0x1A00] =	vst v63  }
0x5d: {  	_ =	swait.ge [sflag:s3], $0xD00  }
0x5e: {  	[sflag:s3] =	ssyncset.done $0x0  }
0x5f: {  	[sflag:s3] =	ssyncadd.s32 $0xFFFFF300  }
0x60: {  	[tilespmem:s6], [sflag:$0x1] =	stream.indirect.gather [hbm4b:s5+s6], $0x1, s2, s6, $0xb8;
	[tilespmem:$0x1A00] =	vst v63  }
0x61: {  	_ =	swait.ge [sflag:s7], $0xD00  }
.Ltmp1:
0x62: {  	[sflag:s7] =	ssyncset.done $0x0;
	(pc) =	sbr.rel @p0 .LBB2_1-.Ltmp1, $4  }
0x63: {  	[sflag:s7] =	ssyncadd.s32 $0xFFFFF300  }
0x64: {  	[hbm4b:s14+s2] =	stream.linear.scatter [tilespmem:s6], [sflag:$0x2], $0xD00, $0x38;
	[tilespmem:$0x1A00] =	vst v63  }
0x65: {  	_ =	swait.ge [sflag:s3], $0xD00  }
0x66: {  	[sflag:s3] =	ssyncset.done $0x0  }
.LBB2_2:
0x67: {  	[sflag:s3] =	ssyncadd.s32 $0xFFFFF300  }
0x68: {  	_ =	sfence.sel $0x180000  }
0x69: {  	[bflag:$0x0] =	sbarrier.arrive $0xFFFF  }
0x6a: {  	p0 =	sne.s32 s0, $0x0;
	_ =	strace $0x90000047  }
0x6b: {  	s0 =	sadd.s32 @!p0 $0x100000, s1;
	[bflag:$0x2] =	sbarrier.arrive $0xFFFF  }
0x6c: {  	[sflag:s0] =	ssyncadd.tile.s32 @!p0 $0x1;
	_ =	shalt  }
.Lfunc_end2:
_tile_overlayer_lowered:
.L_overlay_start_2:
0x6d: {  	(tag) =	ssettag $0x2  }
0x6e: {  	s0 =	rddreg [dreg:$0x0];
	s2 =	stileid.u32  }
0x6f: {  	s1 =	rddreg [dreg:$0x1];
	p0 =	sne.s32 s2, $0x0  }
0x70: {  	s3 =	rddreg [dreg:$0x2];
	[bflag:$0x3] =	sbarrier.arrive $0xFFFF;
	s2 =	simm.s32 @!p0 $0x1C02  }
0x71: {  	[timem:s3], [sflag:s2] =	dma.local @!p0 [hbm:s0], s1  }
0x72: {  	s0 =	simm.s32 @!p0 $0x2  }
0x73: {  	_ =	swait.ge @!p0 [sflag:s0], s1  }
0x74: {  	s1 =	ssub.s32 @!p0 $0x0, s1;
	[sflag:s0] =	ssyncset.done @!p0 $0x0  }
0x75: {  	[sflag:s0] =	ssyncadd.s32 @!p0 s1  }
0x76: {  	[bflag:$0x3] =	sbarrier.arrive $0xFFFF  }
0x77: {  	_ =	shalt  }

// kernel: kernel.8.cloned.1.call-start
scs
__scs_entry_jumppad:
0x0: {  	(pc) =	sbr.rel $0x88, $3  }
0x1: {  	(tag) =	ssettag $0x0;
	lr =	simm.s32 $0x1  }
0x2: {  	[smem:$0x3F93] =	sst lr;
	_ =	strace $0xD0000000  }
0x3: {  	_ = 	snop  }
0x4: {  	_ = 	snop  }
0x5: {  	_ = 	snop  }
0x6: {  	_ = 	snop  }
0x7: {  	_ = 	snop  }
__scs_overlays_trampoline_lowered:
0x8: {  	[smem:$0x3FA2] =	sst s0  }
0x9: {  	[smem:$0x3FA3] =	sst s1  }
0xa: {  	[smem:$0x3FA4] =	sst s2  }
0xb: {  	[smem:$0x3FA5] =	sst s3  }
0xc: {  	[smem:$0x3FA6] =	sst s4  }
0xd: {  	[smem:$0x3FA7] =	sst s5  }
0xe: {  	[smem:$0x3FA8] =	sst s6  }
0xf: {  	[smem:$0x3FA9] =	sst s7  }
0x10: {  	[smem:$0x3FAA] =	sst s8  }
0x11: {  	[smem:$0x3FAB] =	sst s9;
	s0 =	simm.s32 @!p0 $0x0  }
0x12: {  	s1 =	sld [smem:$0x3F91];
	s0 =	simm.s32 @p0 $0x1  }
0x13: {  	[smem:$0x3FAC] =	sst s0;
	s0 =	simm.s32 @!p1 $0x0  }
0x14: {  	s2 =	sld [smem:$0x3F90];
	s0 =	simm.s32 @p1 $0x1  }
0x15: {  	[smem:$0x3FAD] =	sst s0;
	s0 =	simm.s32 @!p2 $0x0  }
0x16: {  	s3 =	sld [smem:$0x3FDB];
	s0 =	simm.s32 @p2 $0x1  }
0x17: {  	s4 =	simm.s32 $0x1BF5;
	[smem:$0x3FAF] =	sst s0  }
0x18: {  	s0 =	sld [smem:$0x3F92];
	_ =	swait.ge [sflag:s4], $0x0  }
0x19: {  	s7 =	sld [smem:$0x3F93]  }
0x1a: {  	s8 =	sadd.s32 $0xFFFFE003, lr  }
0x1b: {  	s9 =	sadd.s32 $0xFFFFFEF7, lr;
	s5 =	simm.s32 $0xFFFFFFFF;
	p2 =	slt.u32 s8, $0xFFFFF086  }
0x1c: {  	p1 =	slt.u32 s9, $0xF7A;
	s5 =	simm.s32 @!p2 $0x0  }
0x1d: {  	s5 =	simm.s32 @p1 $0x1;
	p0 =	seq.s32 s7, s2  }
0x1e: {  	s7 =	smul.u32 @!p0 $0xF7A, s2;
	p2 =	seq.s32 @!p0 s5, $0x0  }
0x1f: {  	s9 =	smul.u32 $0xF7A, s1;
	s8 =	simm.s32 @!p0 $0x1BF5;
	p2 =	por !p2, p0  }
0x20: {  	[sflag:s8] =	ssyncset.s32 @!p0 $0xFFFFF086;
	s6 =	sadd.s32 @!p0 s3, s7;
	s7 =	simm.s32 @!p0 $0x108  }
0x21: {  	s3 =	sadd.s32 s3, s9;
	s6 =	sadd.s32 @!p0 $0x88, s6;
	s7 =	simm.s32 @p2 $0x1082  }
0x22: {  	[simem:s7], [sflag:s8] =	dma.local @!p0 [hbm:s6], $0xF7A  }
0x23: {  	s9 =	sor.u32 $0xD0000000, s2;
	s6 =	simm.s32 $0x108;
	_ =	swait.ge @!p0 [sflag:s8], $0x0  }
0x24: {  	s3 =	sadd.s32 $0x88, s3;
	s6 =	simm.s32 @!p1 $0x1082;
	[sflag:s4] =	ssyncset.s32 $0xFFFFF086  }
0x25: {  	[simem:s6], [sflag:s4] =	dma.local [hbm:s3], $0xF7A  }
0x26: {  	[smem:$0x3F93] =	sst s1;
	(tag) =	ssettag s2;
	_ =	strace s9  }
0x27: {  	s1 =	sld [smem:$0x3FA3]  }
0x28: {  	s2 =	sld [smem:$0x3FA4]  }
0x29: {  	s4 =	sld [smem:$0x3FA6]  }
0x2a: {  	p0 =	seq.s32 s5, $0x0;
	s5 =	sld [smem:$0x3FA7]  }
0x2b: {  	s6 =	sld [smem:$0x3FA8]  }
0x2c: {  	s7 =	sld [smem:$0x3FA9]  }
0x2d: {  	s3 =	simm.s32 $0x108;
	s8 =	sld [smem:$0x3FAA]  }
0x2e: {  	s3 =	simm.s32 @!p0 $0x1082;
	s9 =	sld [smem:$0x3FAB]  }
0x2f: {  	lr =	sadd.s32 s0, s3;
	s0 =	sld [smem:$0x3FA2]  }
0x30: {  	s3 =	sld [smem:$0x3FA5]  }
0x31: {  	[smem:$0x3FAE] =	sst s10  }
0x32: {  	s10 =	sld [smem:$0x3FAC];
	_ =	sdelay $0x3  }
0x33: {  	p0 =	seq.s32 s10, $0x1;
	s10 =	sld [smem:$0x3FAE];
	_ =	sdelay $0x3  }
0x34: {  	[smem:$0x3FAE] =	sst s10  }
0x35: {  	s10 =	sld [smem:$0x3FAD];
	_ =	sdelay $0x3  }
0x36: {  	p1 =	seq.s32 s10, $0x1;
	s10 =	sld [smem:$0x3FAE];
	_ =	sdelay $0x3  }
0x37: {  	[smem:$0x3FAE] =	sst s10  }
0x38: {  	s10 =	sld [smem:$0x3FAF]  }
0x39: {  	_ = 	snop;
	(pc) =	sbr.ind lr, $3  }
0x3a: {  	_ = 	snop  }
0x3b: {  	_ = 	snop  }
0x3c: {  	p2 =	seq.s32 s10, $0x1;
	s10 =	sld [smem:$0x3FAE]  }
0x3d: {  	_ =	shalt  }
0x3e: {  	_ =	shalt  }
0x3f: {  	_ =	shalt  }
0x40: {  	_ =	shalt  }
0x41: {  	_ =	shalt  }
0x42: {  	_ =	shalt  }
0x43: {  	_ =	shalt  }
0x44: {  	_ =	shalt  }
0x45: {  	_ =	shalt  }
0x46: {  	_ =	shalt  }
0x47: {  	_ =	shalt  }
0x48: {  	_ =	shalt  }
0x49: {  	_ =	shalt  }
0x4a: {  	_ =	shalt  }
0x4b: {  	_ =	shalt  }
0x4c: {  	_ =	shalt  }
0x4d: {  	_ =	shalt  }
0x4e: {  	_ =	shalt  }
0x4f: {  	_ =	shalt  }
0x50: {  	_ =	shalt  }
0x51: {  	_ =	shalt  }
0x52: {  	_ =	shalt  }
0x53: {  	_ =	shalt  }
0x54: {  	_ =	shalt  }
0x55: {  	_ =	shalt  }
0x56: {  	_ =	shalt  }
0x57: {  	_ =	shalt  }
0x58: {  	_ =	shalt  }
0x59: {  	_ =	shalt  }
0x5a: {  	_ =	shalt  }
0x5b: {  	_ =	shalt  }
0x5c: {  	_ =	shalt  }
0x5d: {  	_ =	shalt  }
0x5e: {  	_ =	shalt  }
0x5f: {  	_ =	shalt  }
0x60: {  	_ =	shalt  }
0x61: {  	_ =	shalt  }
0x62: {  	_ =	shalt  }
0x63: {  	_ =	shalt  }
0x64: {  	_ =	shalt  }
0x65: {  	_ =	shalt  }
0x66: {  	_ =	shalt  }
0x67: {  	_ =	shalt  }
0x68: {  	_ =	shalt  }
0x69: {  	_ =	shalt  }
0x6a: {  	_ =	shalt  }
0x6b: {  	_ =	shalt  }
0x6c: {  	_ =	shalt  }
0x6d: {  	_ =	shalt  }
0x6e: {  	_ =	shalt  }
0x6f: {  	_ =	shalt  }
0x70: {  	_ =	shalt  }
0x71: {  	_ =	shalt  }
0x72: {  	_ =	shalt  }
0x73: {  	_ =	shalt  }
0x74: {  	_ =	shalt  }
0x75: {  	_ =	shalt  }
0x76: {  	_ =	shalt  }
0x77: {  	_ =	shalt  }
0x78: {  	_ =	shalt  }
0x79: {  	_ =	shalt  }
0x7a: {  	_ =	shalt  }
0x7b: {  	_ =	shalt  }
0x7c: {  	_ =	shalt  }
0x7d: {  	_ =	shalt  }
0x7e: {  	_ =	shalt  }
0x7f: {  	_ =	shalt  }
0x80: {  	_ =	shalt  }
0x81: {  	_ =	shalt  }
0x82: {  	_ =	shalt  }
0x83: {  	_ =	shalt  }
0x84: {  	_ =	shalt  }
0x85: {  	_ =	shalt  }
0x86: {  	_ =	shalt  }
0x87: {  	_ =	shalt  }
.Lfunc_end0:
.L_simem_size_0:
called_computation_lowered:
.L_overlay_start_0:
0x88: {  	s2 =	sld [smem:$0x3FD9]  }
0x89: {  	s3 =	sld [smem:$0x3FFE];
	_ =	sdelay $0x1  }
0x8a: {  	s1 =	srdreg.scid  }
0x8b: {  	s0 =	sand.u32 $0x1, s1  }
0x8c: {  	s17 =	sshll.u32 s0, $0xA;
	s2 =	sadd.s32 s3, s2  }
0x8d: {  	s2 =	sadd.s32 s2, s17  }
0x8e: {  	[smem:$0x3FBA] =	sst s2  }
0x8f: {  	_ = 	snop  }
0x90: {  	(tm) =	ssettm $0x1  }
0x91: {  	s18 =	sld [smem:$0x3FFB];
	_ =	sdelay $0x3  }
0x92: {  	_ =	strace s18  }
0x93: {  	s2 =	sld [smem:$0x3FFC];
	_ =	sdelay $0x3  }
0x94: {  	_ =	strace s2  }
0x95: {  	s2 =	sld [smem:$0x3FFD];
	_ =	sdelay $0x3  }
0x96: {  	_ =	strace s2  }
0x97: {  	_ =	strace $0x8FFFFFFF  }
0x98: {  	s19 =	sld [smem:$0x3FDB];
	_ =	sdelay $0x1  }
0x99: {  	s20 =	simm.s32 $_scs_section_size  }
0x9a: {  	s4 =	simm.s32 $_size__tile_overlayer_lowered;
	s5 =	simm.s32 $_tile_overlayer_lowered  }
0x9b: {  	s6 =	simm.s32 $0x1BFF;
	s21 =	sshll.u32 s5, $0x1;
	s3 =	sadd.s32 s20, s19  }
0x9c: {  	s22 =	simm.s32 $0x0;
	s4 =	sshll.u32 s4, $0x1;
	s5 =	sadd.s32 s21, s3  }
0x9d: {  	[timem:s22], [sflag:s6] =	dma.local [hbm:s5], s4  }
0x9e: {  	_ =	swait.ge [sflag:s6], s4  }
0x9f: {  	s4 =	ssub.s32 $0x0, s4;
	[sflag:s6] =	ssyncset.done $0x0  }
0xa0: {  	[sflag:s6] =	ssyncadd.s32 s4;
	_ =	sdelay $0x1  }
0xa1: {  	s23 =	simm.s32 $0x1B8B  }
0xa2: {  	_ =	swait.ge [sflag:s23], $0x1  }
0xa3: {  	[sflag:s23] =	ssyncset.done $0x0  }
0xa4: {  	[sflag:s23] =	ssyncadd.s32 $0xFFFFFFFF  }
0xa5: {  	s4 =	sld [smem:$0x0]  }
0xa6: {  	s5 =	sand.u32 $0xFFFFFFFE, s1  }
0xa7: {  	p0 =	sne.s32 s1, s5  }
0xa8: {  	s5 =	sshll.u32 @p0 s5, $0xE  }
0xa9: {  	s5 =	sadd.s32 @p0 $0x11B8D, s5;
	s6 =	sshll.u32 @p0 s4, $0x11  }
0xaa: {  	s5 =	sor.u32 @p0 s6, s5  }
0xab: {  	[sflag:s5] =	ssyncadd.remote.s32 @p0 $0x1;
	_ =	sdelay $0x1  }
0xac: {  	s5 =	simm.s32 @p0 $0x1B8D  }
0xad: {  	_ =	swait.eq @p0 [sflag:s5], $0x1  }
0xae: {  	[sflag:s5] =	ssyncadd.s32 @p0 $0xFFFFFFFF  }
0xaf: {  	s6 =	sshll.u32 @!p0 s1, $0xE  }
0xb0: {  	s6 =	sor.u32 @!p0 $0x4000, s6;
	s5 =	simm.s32 @!p0 $0x1B8D  }
0xb1: {  	s4 =	sshll.u32 @!p0 s4, $0x11;
	s6 =	sadd.s32 @!p0 $0x11B8D, s6;
	_ =	swait.eq @!p0 [sflag:s5], $0x1  }
0xb2: {  	s4 =	sor.u32 @!p0 s4, s6;
	[sflag:s5] =	ssyncadd.s32 @!p0 $0xFFFFFFFF  }
0xb3: {  	s25 =	simm.s32 $0x1B8E;
	s24 =	sld [smem:$0x3FFE];
	[sflag:s4] =	ssyncadd.remote.s32 @!p0 $0x1  }
0xb4: {  	s26 =	simm.s32 $execute0_lowered;
	[smem:$0x3FD2] =	sst s25  }
0xb5: {  	s5 =	sshll.u32 s26, $0x1;
	_ =	strace $0x8000004C;
	[dreg:$0x1] =	wrdreg $0xFFFFFFFF  }
0xb6: {  	s28 =	simm.s32 $_size_execute0_lowered;
	s3 =	sadd.s32 s3, s5;
	[dreg:$0x0] =	wrdreg $0x0  }
0xb7: {  	s5 =	sshll.u32 s28, $0x1;
	[dreg:$0x2] =	wrdreg s3  }
0xb8: {  	[dreg:$0x3] =	wrdreg s5  }
0xb9: {  	[dreg:$0x4] =	wrdreg $0xC0  }
0xba: {  	_ =	task [dreg:s22], $0x5FFFF  }
0xbb: {  	[dreg:$0x1] =	wrdreg $0xFFFFFFFF  }
0xbc: {  	[dreg:$0x0] =	wrdreg $0x60  }
0xbd: {  	[dreg:$0x2] =	wrdreg s24  }
0xbe: {  	[dreg:$0x3] =	wrdreg $0x9  }
0xbf: {  	_ =	task.clear_ibuf [dreg:s22], $0x4FFFF;
	_ =	strace $0x9000004C  }
0xc0: {  	s29 =	simm.s32 $0x9;
	_ =	strace $0x8000004E  }
0xc1: {  	_ =	swait.ge [sflag:s29], $0x1  }
0xc2: {  	[sflag:s29] =	ssyncadd.s32 $0xFFFFFFFF  }
0xc3: {  	_ =	strace $0x9000004E  }
0xc4: {  	_ =	sfence  }
0xc5: {  	s30 =	sld [smem:$0x0];
	_ =	sdelay $0x2  }
0xc6: {  	s31 =	sshll.u32 s1, $0xD;
	s1 =	sshrl.u32 s1, $0x2  }
0xc7: {  	s4 =	sand.u32 $0x4000, s31;
	s1 =	sadd.s32 s1, s30  }
0xc8: {  	s0 =	sor.u32 s4, s0;
	s1 =	sshll.u32 s1, $0x11  }
0xc9: {  	s0 =	sor.u32 s1, s0  }
0xca: {  	s0 =	sadd.s32 $0x8F2B, s0  }
0xcb: {  	[sflag:s0] =	ssyncadd.remote.s32 $0x1  }
0xcc: {  	_ =	sfence.sel $0xFFFF  }
0xcd: {  	[dreg:$0x0] =	wrdreg $0xFFFFFFFF;
	(pc) =	sbr.abs _section_cstart, $3  }
0xce: {  	[dreg:$0x1] =	wrdreg $0xFFFFFFFF  }
0xcf: {  	_ =	task.clear_ibuf [dreg:s22], $0x2FFFF;
	_ =	strace $0x9FFFFFFF  }
0xd0: {  	(tm) =	ssettm $0x7FFFFFFF  }
0xd1: {  	_ =	shalt  }
tec
execute0_lowered:
.L_overlay_start_1:
0x0: {  	(tag) =	ssettag $0x1  }
0x1: {  	s1 =	srdreg.scid  }
0x2: {  	s0 =	stileid.u32;
	s5 =	rddreg [dreg:$0x0]  }
0x3: {  	s2 =	simm.s32 $0x0;
	s8 =	simm.s32 $0x1000;
	s9 =	simm.s32 $0x2000  }
0x4: {  	s10 =	simm.s32 $0x3000;
	s3 =	sand.u32 $0x1, s1;
	s4 =	smul.u32 $0x34000, s0  }
0x5: {  	s11 =	simm.s32 $0x1;
	s12 =	simm.s32 $0x2;
	s6 =	smul.u32 $0x1A000, s3  }
0x6: {  	s13 =	simm.s32 $0x0;
	s1 =	rddreg [dreg:$0x1];
	s3 =	ssub.s32 $0x2, s3  }
0x7: {  	[smem:$0x7FF] =	sst s2;
	s31 =	sshrl.u32 s3, $0x1;
	s4 =	sadd.s32 s6, s4  }
0x8: {  	_ =	strace $0x8000004D;
	s6 =	ssub.s32 s3, s31;
	s4 =	sshrl.u32 s4, $0x3  }
0x9: {  	s3 =	sadd.s32 $0x10000, s5;
	s7 =	sadd.s32 s4, s5;
	s4 =	smax.u32 s6, $0x1  }
0xa: {  	s5 =	sadd.s32 $0x2E7400, s7;
	s6 =	sadd.s32 $0x632200, s7;
	s7 =	simm.s32 $0x3  }
.LBB2_1:
0xb: {  	s14 =	sadd.s32 $0x0, s5  }
0xc: {  	[tilespmem:s2], [sflag:$0x3] =	stream.linear.gather [hbm4b:s14+s2], $0x1000, $0x38;
	[tilespmem:$0x4000] =	vst v63  }
0xd: {  	_ =	swait.ge [sflag:s7], $0x1000  }
0xe: {  	[sflag:s7] =	ssyncset.done $0x0  }
0xf: {  	[sflag:s7] =	ssyncadd.s32 $0xFFFFF000  }
0x10: {  	[tilespmem:s9], [sflag:$0x1] =	stream.indirect.gather [hbm4b:s3+s8], $0x1, s2, s8, $0xb8;
	[tilespmem:$0x4000] =	vst v63  }
0x11: {  	s14 =	sadd.s32 $0x200, s14  }
0x12: {  	[tilespmem:s8], [sflag:$0x3] =	stream.linear.gather [hbm4b:s14+s2], $0x1000, $0x38;
	[tilespmem:$0x4000] =	vst v63  }
0x13: {  	_ =	swait.ge [sflag:s7], $0x1000  }
0x14: {  	[sflag:s7] =	ssyncset.done $0x0  }
0x15: {  	[sflag:s7] =	ssyncadd.s32 $0xFFFFF000  }
0x16: {  	[tilespmem:s10], [sflag:$0x2] =	stream.indirect.gather [hbm4b:s3+s8], $0x1, s8, s8, $0xb8;
	[tilespmem:$0x4000] =	vst v63  }
0x17: {  	_ =	swait.ge [sflag:s11], $0x1000  }
0x18: {  	[sflag:s11] =	ssyncset.done $0x0  }
0x19: {  	s31 =	sadd.s32 $0x0, s6;
	[sflag:s11] =	ssyncadd.s32 $0xFFFFF000  }
0x1a: {  	[hbm4b:s31+s2] =	stream.linear.scatter [tilespmem:s9], [sflag:$0x3], $0x1000, $0x38;
	[tilespmem:$0x4000] =	vst v63  }
0x1b: {  	_ =	swait.ge [sflag:s7], $0x1000  }
0x1c: {  	[sflag:s7] =	ssyncset.done $0x0  }
0x1d: {  	[sflag:s7] =	ssyncadd.s32 $0xFFFFF000  }
0x1e: {  	_ =	swait.ge [sflag:s12], $0x1000  }
0x1f: {  	[sflag:s12] =	ssyncset.done $0x0  }
0x20: {  	s14 =	sadd.s32 $0x200, s31;
	[sflag:s12] =	ssyncadd.s32 $0xFFFFF000  }
0x21: {  	[hbm4b:s14+s2] =	stream.linear.scatter [tilespmem:s10], [sflag:$0x3], $0x1000, $0x38;
	[tilespmem:$0x4000] =	vst v63  }
0x22: {  	_ =	swait.ge [sflag:s7], $0x1000  }
0x23: {  	s15 =	simm.s32 $0x800;
	s14 =	simm.s32 $0x400;
	[sflag:s7] =	ssyncset.done $0x0  }
.LBB2_2:
0x24: {  	s16 =	sadd.s32 s14, s5  }
0x25: {  	[sflag:s7] =	ssyncadd.s32 $0xFFFFF000;
	s17 =	smov.u32 s15;
	s18 =	sadd.s32 $0x400, s15  }
0x26: {  	[tilespmem:s2], [sflag:$0x3] =	stream.linear.gather [hbm4b:s16+s2], $0x1000, $0x38;
	[tilespmem:$0x4000] =	vst v63  }
0x27: {  	p0 =	sne.s32 s15, $0x3000;
	_ =	swait.ge [sflag:s7], $0x1000  }
0x28: {  	[sflag:s7] =	ssyncset.done $0x0  }
0x29: {  	[sflag:s7] =	ssyncadd.s32 $0xFFFFF000  }
0x2a: {  	[tilespmem:s9], [sflag:$0x1] =	stream.indirect.gather [hbm4b:s3+s8], $0x1, s2, s8, $0xb8;
	[tilespmem:$0x4000] =	vst v63  }
0x2b: {  	s15 =	sadd.s32 $0x200, s16  }
0x2c: {  	[tilespmem:s8], [sflag:$0x3] =	stream.linear.gather [hbm4b:s15+s2], $0x1000, $0x38;
	[tilespmem:$0x4000] =	vst v63  }
0x2d: {  	_ =	swait.ge [sflag:s7], $0x1000  }
0x2e: {  	[sflag:s7] =	ssyncset.done $0x0  }
0x2f: {  	[sflag:s7] =	ssyncadd.s32 $0xFFFFF000  }
0x30: {  	[tilespmem:s10], [sflag:$0x2] =	stream.indirect.gather [hbm4b:s3+s8], $0x1, s8, s8, $0xb8;
	[tilespmem:$0x4000] =	vst v63  }
0x31: {  	_ =	swait.ge [sflag:s11], $0x1000  }
0x32: {  	[sflag:s11] =	ssyncset.done $0x0  }
0x33: {  	s15 =	sadd.s32 s14, s6;
	s14 =	smov.u32 s17;
	[sflag:s11] =	ssyncadd.s32 $0xFFFFF000  }
0x34: {  	[hbm4b:s15+s2] =	stream.linear.scatter [tilespmem:s9], [sflag:$0x3], $0x1000, $0x38;
	[tilespmem:$0x4000] =	vst v63  }
0x35: {  	_ =	swait.ge [sflag:s7], $0x1000  }
0x36: {  	[sflag:s7] =	ssyncset.done $0x0  }
0x37: {  	[sflag:s7] =	ssyncadd.s32 $0xFFFFF000  }
0x38: {  	_ =	swait.ge [sflag:s12], $0x1000  }
.Ltmp0:
0x39: {  	[sflag:s12] =	ssyncset.done $0x0;
	(pc) =	sbr.rel @p0 .LBB2_2-.Ltmp0, $4  }
0x3a: {  	s15 =	sadd.s32 $0x200, s15;
	[sflag:s12] =	ssyncadd.s32 $0xFFFFF000  }
0x3b: {  	[hbm4b:s15+s2] =	stream.linear.scatter [tilespmem:s10], [sflag:$0x3], $0x1000, $0x38;
	[tilespmem:$0x4000] =	vst v63  }
0x3c: {  	_ =	swait.ge [sflag:s7], $0x1000  }
0x3d: {  	s15 =	smov.u32 s18;
	[sflag:s7] =	ssyncset.done $0x0  }
0x3e: {  	s15 =	sadd.s32 s14, s5;
	[sflag:s7] =	ssyncadd.s32 $0xFFFFF000  }
0x3f: {  	[tilespmem:s2], [sflag:$0x3] =	stream.linear.gather [hbm4b:s15+s2], $0x1000, $0x38;
	[tilespmem:$0x4000] =	vst v63  }
0x40: {  	_ =	swait.ge [sflag:s7], $0x1000  }
0x41: {  	[sflag:s7] =	ssyncset.done $0x0  }
0x42: {  	[sflag:s7] =	ssyncadd.s32 $0xFFFFF000  }
0x43: {  	[tilespmem:s9], [sflag:$0x1] =	stream.indirect.gather [hbm4b:s3+s8], $0x1, s2, s8, $0xb8;
	[tilespmem:$0x4000] =	vst v63  }
0x44: {  	s15 =	sadd.s32 $0x200, s15  }
0x45: {  	[tilespmem:s8], [sflag:$0x3] =	stream.linear.gather [hbm4b:s15+s2], $0x1000, $0x38;
	[tilespmem:$0x4000] =	vst v63  }
0x46: {  	_ =	swait.ge [sflag:s7], $0x1000  }
0x47: {  	[sflag:s7] =	ssyncset.done $0x0  }
0x48: {  	[sflag:s7] =	ssyncadd.s32 $0xFFFFF000  }
0x49: {  	[tilespmem:s10], [sflag:$0x2] =	stream.indirect.gather [hbm4b:s3+s8], $0x1, s8, s8, $0xb8;
	[tilespmem:$0x4000] =	vst v63  }
0x4a: {  	_ =	swait.ge [sflag:s11], $0x1000  }
0x4b: {  	[sflag:s11] =	ssyncset.done $0x0  }
0x4c: {  	s31 =	sadd.s32 s14, s6;
	[sflag:s11] =	ssyncadd.s32 $0xFFFFF000  }
0x4d: {  	[hbm4b:s31+s2] =	stream.linear.scatter [tilespmem:s9], [sflag:$0x3], $0x1000, $0x38;
	[tilespmem:$0x4000] =	vst v63  }
0x4e: {  	_ =	swait.ge [sflag:s7], $0x1000  }
0x4f: {  	[sflag:s7] =	ssyncset.done $0x0  }
0x50: {  	[sflag:s7] =	ssyncadd.s32 $0xFFFFF000  }
0x51: {  	s13 =	sadd.s32 $0x1, s13;
	_ =	swait.ge [sflag:s12], $0x1000  }
0x52: {  	p0 =	sne.s32 s13, s4;
	[sflag:s12] =	ssyncset.done $0x0  }
.Ltmp1:
0x53: {  	s14 =	sadd.s32 $0x200, s31;
	[sflag:s12] =	ssyncadd.s32 $0xFFFFF000;
	(pc) =	sbr.rel @p0 .LBB2_1-.Ltmp1, $4  }
0x54: {  	[hbm4b:s14+s2] =	stream.linear.scatter [tilespmem:s10], [sflag:$0x3], $0x1000, $0x38;
	[tilespmem:$0x4000] =	vst v63  }
0x55: {  	_ =	swait.ge [sflag:s7], $0x1000  }
0x56: {  	[sflag:s7] =	ssyncset.done $0x0  }
0x57: {  	[sflag:s7] =	ssyncadd.s32 $0xFFFFF000  }
0x58: {  	_ =	sfence.sel $0x180000  }
0x59: {  	[bflag:$0x0] =	sbarrier.arrive $0xFFFF  }
0x5a: {  	p0 =	sne.s32 s0, $0x0;
	_ =	strace $0x9000004D  }
0x5b: {  	s0 =	sadd.s32 @!p0 $0x100000, s1;
	[bflag:$0x2] =	sbarrier.arrive $0xFFFF  }
0x5c: {  	[sflag:s0] =	ssyncadd.tile.s32 @!p0 $0x1;
	_ =	shalt  }
.Lfunc_end2:
_tile_overlayer_lowered:
.L_overlay_start_2:
0x5d: {  	(tag) =	ssettag $0x2  }
0x5e: {  	s0 =	rddreg [dreg:$0x0];
	s2 =	stileid.u32  }
0x5f: {  	s1 =	rddreg [dreg:$0x1];
	p0 =	sne.s32 s2, $0x0  }
0x60: {  	s3 =	rddreg [dreg:$0x2];
	[bflag:$0x3] =	sbarrier.arrive $0xFFFF;
	s2 =	simm.s32 @!p0 $0x1C03  }
0x61: {  	[timem:s3], [sflag:s2] =	dma.local @!p0 [hbm:s0], s1  }
0x62: {  	s0 =	simm.s32 @!p0 $0x3  }
0x63: {  	_ =	swait.ge @!p0 [sflag:s0], s1  }
0x64: {  	s1 =	ssub.s32 @!p0 $0x0, s1;
	[sflag:s0] =	ssyncset.done @!p0 $0x0  }
0x65: {  	[sflag:s0] =	ssyncadd.s32 @!p0 s1  }
0x66: {  	[bflag:$0x3] =	sbarrier.arrive $0xFFFF  }
0x67: {  	_ =	shalt  }

</sc_bundles>
